<compile_context>
chip_gen: v7x
topology: tpu7x:2x2x1
jax: 0.10.2.dev20260603
libtpu: 0.0.44.dev20260713+nightly
codegen_flags: <defaults>
</compile_context>

<pallas_src>
import jax
import jax.numpy as jnp
from jax import lax
from jax.experimental import pallas as pl
from jax.experimental.pallas import tpu as pltpu
from jax.experimental.pallas import tpu_sc as plsc

N = 10000
IN_C = 128
H_C = 256
OUT_C = 128
E = 320000

NC = 2
NS = 16
NW = NC * NS

CHUNK = 128
PER_W = 80
E_PAD = NW * PER_W * CHUNK
ROWS = E_PAD // CHUNK
IDXB = 8
N_PAD = 10112
PER_S = N_PAD // NS


def _make_sc_agg(with_counts):
  mesh = plsc.VectorSubcoreMesh(core_axis_name="c", subcore_axis_name="s")
  out_type = [jax.ShapeDtypeStruct((NC, N_PAD, 128), jnp.float32)]
  scratch = [
      pltpu.VMEM_SHARED((N_PAD, 128), jnp.float32),
      pltpu.VMEM((2, IDXB, CHUNK), jnp.int32),
      pltpu.VMEM((2, IDXB, CHUNK), jnp.int32),
      pltpu.VMEM((2, CHUNK, 128), jnp.float32),
      pltpu.SemaphoreType.DMA,
      pltpu.SemaphoreType.DMA,
      pltpu.SemaphoreType.DMA,
  ]
  if with_counts:
    out_type.append(jax.ShapeDtypeStruct((NW, N_PAD), jnp.float32))
    scratch.append(pltpu.VMEM((N_PAD,), jnp.float32))

  NBLK = PER_W // IDXB

  def body(*refs):
    if with_counts:
      (table, srcr, dstr, z128, agg_out, cnt_out,
       acc, sidx, didx, rows, sem_g, sem_i, sem_s, cnt) = refs
    else:
      (table, srcr, dstr, z128, agg_out,
       acc, sidx, didx, rows, sem_g, sem_i, sem_s) = refs
    c = lax.axis_index("c")
    s = lax.axis_index("s")
    wid = c * NS + s

    pltpu.sync_copy(z128.at[pl.ds(s * PER_S, PER_S)],
                    acc.at[pl.ds(s * PER_S, PER_S)])
    if with_counts:
      def zstep(i, carry):
        cnt[pl.ds(i * 16, 16)] = jnp.zeros((16,), jnp.float32)
        return carry
      lax.fori_loop(0, N_PAD // 16, zstep, 0)

    pltpu.sync_copy(srcr.at[wid, pl.ds(0, IDXB)], sidx.at[0])
    pltpu.sync_copy(dstr.at[wid, pl.ds(0, IDXB)], didx.at[0])
    pltpu.async_copy(table.at[sidx.at[0, 0, pl.ds(0, 64)]],
                     rows.at[0, pl.ds(0, 64)], sem_g)
    pltpu.async_copy(table.at[sidx.at[0, 0, pl.ds(64, 64)]],
                     rows.at[0, pl.ds(64, 64)], sem_g)
    plsc.subcore_barrier()

    one16 = jnp.ones((16,), jnp.float32)

    def step(j, carry):
      p = j % 2
      b = j // IDXB
      bp = b % 2
      r = j % IDXB
      jn = j + 1

      @pl.when(jnp.logical_and(r == 0, b + 1 < NBLK))
      def _stage_next():
        pltpu.async_copy(srcr.at[wid, pl.ds((b + 1) * IDXB, IDXB)],
                         sidx.at[1 - bp], sem_i)
        pltpu.async_copy(dstr.at[wid, pl.ds((b + 1) * IDXB, IDXB)],
                         didx.at[1 - bp], sem_i)

      @pl.when(jnp.logical_and(r == IDXB - 1, b + 1 < NBLK))
      def _wait_next_idx():
        pltpu.make_async_copy(srcr.at[wid, pl.ds((b + 1) * IDXB, IDXB)],
                              sidx.at[1 - bp], sem_i).wait()
        pltpu.make_async_copy(dstr.at[wid, pl.ds((b + 1) * IDXB, IDXB)],
                              didx.at[1 - bp], sem_i).wait()

      @pl.when(j >= 1)
      def _wait_prev_scatter():
        bprev = ((j - 1) // IDXB) % 2
        pltpu.make_async_copy(rows.at[1 - p],
                              acc.at[didx.at[bprev, (j - 1) % IDXB]],
                              sem_s).wait()

      @pl.when(jn < PER_W)
      def _fire_next():
        bn = (jn // IDXB) % 2
        rn = jn % IDXB
        pltpu.async_copy(table.at[sidx.at[bn, rn, pl.ds(0, 64)]],
                         rows.at[1 - p, pl.ds(0, 64)], sem_g)
        pltpu.async_copy(table.at[sidx.at[bn, rn, pl.ds(64, 64)]],
                         rows.at[1 - p, pl.ds(64, 64)], sem_g)

      if with_counts:
        for k in range(CHUNK // 16):
          idx16 = didx[bp, r, pl.ds(k * 16, 16)]
          plsc.addupdate_scatter(cnt, [idx16], one16)

      pltpu.make_async_copy(table.at[sidx.at[bp, r, pl.ds(0, 64)]],
                            rows.at[p, pl.ds(0, 64)], sem_g).wait()
      pltpu.make_async_copy(table.at[sidx.at[bp, r, pl.ds(64, 64)]],
                            rows.at[p, pl.ds(64, 64)], sem_g).wait()

      pltpu.async_copy(rows.at[p], acc.at[didx.at[bp, r]], sem_s, add=True)
      return carry

    lax.fori_loop(0, PER_W, step, 0)
    pltpu.make_async_copy(
        rows.at[(PER_W - 1) % 2],
        acc.at[didx.at[((PER_W - 1) // IDXB) % 2, (PER_W - 1) % IDXB]],
        sem_s).wait()

    plsc.subcore_barrier()

    pltpu.sync_copy(acc.at[pl.ds(s * PER_S, PER_S)],
                    agg_out.at[c, pl.ds(s * PER_S, PER_S)])
    if with_counts:
      pltpu.sync_copy(cnt, cnt_out.at[wid])

  return pl.kernel(
      body, out_type=out_type, mesh=mesh, scratch_types=scratch,
      compiler_params=pltpu.CompilerParams(needs_layout_passes=False))


_R = 2528


def _tc_layer1(aggp, cntt, xp, w1l, b1, w1r, w2l, b2, w2r):
  def tc_body(aggp_r, cntt_r, x_r, w1l_r, b1_r, w1r_r, w2l_r, b2_r, w2r_r,
              g_r, hr_r):
    agg = aggp_r[0] + aggp_r[1]
    cnt = jnp.sum(cntt_r[...], axis=1, keepdims=True)
    mean = agg * (1.0 / jnp.maximum(cnt, 1.0))
    h = (jnp.dot(mean, w1l_r[...], preferred_element_type=jnp.float32)
         + b1_r[...]
         + jnp.dot(x_r[...], w1r_r[...], preferred_element_type=jnp.float32))
    h = jnp.where(h >= 0, h, 0.01 * h)
    g_r[...] = jnp.dot(h, w2l_r[...], preferred_element_type=jnp.float32)
    hr_r[...] = (jnp.dot(h, w2r_r[...], preferred_element_type=jnp.float32)
                 + b2_r[...])

  grid = (N_PAD // _R,)
  return pl.pallas_call(
      tc_body,
      grid=grid,
      in_specs=[
          pl.BlockSpec((NC, _R, 128), lambda i: (0, i, 0)),
          pl.BlockSpec((_R, NW), lambda i: (i, 0)),
          pl.BlockSpec((_R, 128), lambda i: (i, 0)),
          pl.BlockSpec((IN_C, H_C), lambda i: (0, 0)),
          pl.BlockSpec((1, H_C), lambda i: (0, 0)),
          pl.BlockSpec((IN_C, H_C), lambda i: (0, 0)),
          pl.BlockSpec((H_C, OUT_C), lambda i: (0, 0)),
          pl.BlockSpec((1, OUT_C), lambda i: (0, 0)),
          pl.BlockSpec((H_C, OUT_C), lambda i: (0, 0)),
      ],
      out_specs=[
          pl.BlockSpec((_R, 128), lambda i: (i, 0)),
          pl.BlockSpec((_R, 128), lambda i: (i, 0)),
      ],
      out_shape=[
          jax.ShapeDtypeStruct((N_PAD, OUT_C), jnp.float32),
          jax.ShapeDtypeStruct((N_PAD, OUT_C), jnp.float32),
      ],
  )(aggp, cntt, xp, w1l, b1, w1r, w2l, b2, w2r)


def _tc_layer2(agg2p, cntt, hr):
  def tc_body(aggp_r, cntt_r, hr_r, out_r):
    agg = aggp_r[0] + aggp_r[1]
    cnt = jnp.sum(cntt_r[...], axis=1, keepdims=True)
    out_r[...] = agg * (1.0 / jnp.maximum(cnt, 1.0)) + hr_r[...]

  grid = (N_PAD // _R,)
  return pl.pallas_call(
      tc_body,
      grid=grid,
      in_specs=[
          pl.BlockSpec((NC, _R, 128), lambda i: (0, i, 0)),
          pl.BlockSpec((_R, NW), lambda i: (i, 0)),
          pl.BlockSpec((_R, 128), lambda i: (i, 0)),
      ],
      out_specs=pl.BlockSpec((_R, 128), lambda i: (i, 0)),
      out_shape=jax.ShapeDtypeStruct((N_PAD, OUT_C), jnp.float32),
  )(agg2p, cntt, hr)


_sc_agg_counts = _make_sc_agg(True)
_sc_agg_plain = _make_sc_agg(False)


def kernel(x, edge_index, W1_l, b1, W1_r, W2_l, b2, W2_r):
  src = edge_index[0].astype(jnp.int32)
  dst = edge_index[1].astype(jnp.int32)
  pad_e = E_PAD - E
  srcr = jnp.concatenate([src, jnp.zeros((pad_e,), jnp.int32)]).reshape(
      NW, PER_W, CHUNK)
  dstr = jnp.concatenate([dst, jnp.full((pad_e,), N, jnp.int32)]).reshape(
      NW, PER_W, CHUNK)
  xp = jnp.zeros((N_PAD, IN_C), jnp.float32).at[:N].set(x)
  z128 = jnp.zeros((N_PAD, 128), jnp.float32)

  aggp, cntp = _sc_agg_counts(xp, srcr, dstr, z128)
  cntt = cntp.T
  g, hr = _tc_layer1(aggp, cntt, xp,
                     W1_l, b1.reshape(1, H_C), W1_r,
                     W2_l, b2.reshape(1, OUT_C), W2_r)
  (agg2p,) = _sc_agg_plain(g, srcr, dstr, z128)
  out = _tc_layer2(agg2p, cntt, hr)
  return out[:N]

# --- scband reference (transcript-rebuilt; emitter-appended) ---
"""Pipeline reference for scband-gnencoder-10007273800200 (READ-ONLY COPY).

The authoritative reference and input builder live on the scoring server;
editing this copy changes nothing except your own understanding.
"""

import jax, jax.numpy as jnp
import numpy as np

N_NODES = 10000
N_EDGES = 320000
IN_C = 128
H_C = 256
OUT_C = 128


def setup_inputs(seed: int = 0) -> dict:
    key = jax.random.key(seed)
    ks = jax.random.split(key, 9)
    x = jax.random.normal(ks[0], (N_NODES, IN_C), dtype=jnp.float32)
    edge_index = jax.random.randint(ks[1], (2, N_EDGES), 0, N_NODES, dtype=jnp.int64)
    # Layer 1 SAGEConv(IN_C -> H_C): lin_l (neighbor, with bias), lin_r (root, no bias)
    s1 = 1.0 / np.sqrt(IN_C)
    W1_l = jax.random.uniform(ks[2], (IN_C, H_C), minval=-s1, maxval=s1, dtype=jnp.float32)
    b1 = jax.random.uniform(ks[3], (H_C,), minval=-s1, maxval=s1, dtype=jnp.float32)
    W1_r = jax.random.uniform(ks[4], (IN_C, H_C), minval=-s1, maxval=s1, dtype=jnp.float32)
    # Layer 2 SAGEConv(H_C -> OUT_C)
    s2 = 1.0 / np.sqrt(H_C)
    W2_l = jax.random.uniform(ks[5], (H_C, OUT_C), minval=-s2, maxval=s2, dtype=jnp.float32)
    b2 = jax.random.uniform(ks[6], (OUT_C,), minval=-s2, maxval=s2, dtype=jnp.float32)
    W2_r = jax.random.uniform(ks[7], (H_C, OUT_C), minval=-s2, maxval=s2, dtype=jnp.float32)
    return {"x": x, "edge_index": edge_index, "W1_l": W1_l, "b1": b1, "W1_r": W1_r,
            "W2_l": W2_l, "b2": b2, "W2_r": W2_r}


def _sage_conv(x, src, dst, W_l, b_l, W_r, n_nodes):
    # PyG SAGEConv with mean aggregation:
    # out = lin_l(mean_{j in N(i)} x_j) + lin_r(x_i)
    msg = jnp.take(x, src, axis=0)                      # gather [E, d]
    agg = jax.ops.segment_sum(msg, dst, num_segments=n_nodes)  # scatter-add
    cnt = jax.ops.segment_sum(jnp.ones((src.shape[0],), dtype=x.dtype), dst,
                              num_segments=n_nodes)
    mean = agg / jnp.clip(cnt, 1.0, None)[:, None]
    return mean @ W_l + b_l + x @ W_r


def reference(x, edge_index, W1_l, b1, W1_r, W2_l, b2, W2_r):
    src = edge_index[0]
    dst = edge_index[1]
    n = x.shape[0]
    h = _sage_conv(x, src, dst, W1_l, b1, W1_r, n)
    h = jax.nn.leaky_relu(h, negative_slope=0.01)
    out = _sage_conv(h, src, dst, W2_l, b2, W2_r, n)
    return out

if __name__ == "__main__":
    import jax
    _d = setup_inputs()
    print(jax.jit(kernel)(*tuple(_d.values())))

</pallas_src>

<mosaic_0001>
#map = affine_map<(d0, d1) -> (0, 0)>
#map1 = affine_map<(d0, d1) -> (0, 0, 0)>
module attributes {stable_mosaic.version = 14 : i64} {
  func.func @body(%arg0: i32, %arg1: i32, %arg2: memref<10112x128xf32, #tpu.memory_space<hbm>>, %arg3: memref<32x80x128xi32, #tpu.memory_space<hbm>>, %arg4: memref<32x80x128xi32, #tpu.memory_space<hbm>>, %arg5: memref<10112x128xf32, #tpu.memory_space<hbm>>, %arg6: memref<2x10112x128xf32, #tpu.memory_space<hbm>>, %arg7: memref<32x10112xf32, #tpu.memory_space<hbm>>, %arg8: memref<10112x128xf32, #tpu.memory_space<vmem_shared>>, %arg9: memref<2x8x128xi32, #tpu.memory_space<vmem>>, %arg10: memref<2x8x128xi32, #tpu.memory_space<vmem>>, %arg11: memref<2x128x128xf32, #tpu.memory_space<vmem>>, %arg12: memref<!tpu.dma_semaphore, #tpu.memory_space<semaphore_mem>>, %arg13: memref<!tpu.dma_semaphore, #tpu.memory_space<semaphore_mem>>, %arg14: memref<!tpu.dma_semaphore, #tpu.memory_space<semaphore_mem>>, %arg15: memref<10112xf32, #tpu.memory_space<vmem>>) attributes {dimension_semantics = [#tpu.dimension_semantics<core_parallel>, #tpu.dimension_semantics<subcore_parallel>], iteration_bounds = array<i64: 2, 16>, scalar_prefetch = 0 : i64, scratch_operands = 8 : i64, tpu.core_type = #tpu.core_type<sc_vector_subcore>, window_params = [{transform_indices = #map}, {transform_indices = #map1}, {transform_indices = #map1}, {transform_indices = #map}, {transform_indices = #map1}, {transform_indices = #map}]} {
    %mul3A = arith.constant 16 : i32
    %mul3A_0 = arith.muli %arg0, %mul3A : i32
    %add3A = arith.addi %mul3A_0, %arg1 : i32
    %mul3A_1 = arith.constant 632 : i32
    %mul3A_2 = arith.muli %arg1, %mul3A_1 : i32
    %mul3A_3 = arith.constant 632 : i32
    %mul3A_4 = arith.muli %arg1, %mul3A_3 : i32
    "tpu.region"() ({
      %run_scoped3A_60 = tpu.sem_alloc : memref<!tpu.dma_semaphore, #tpu.memory_space<semaphore_mem>>
      %dma_start3A_61 = arith.constant 0 : i32
      %dma_start3A_62 = tpu.memref_slice %arg8[%mul3A_4, %dma_start3A_61] : memref<10112x128xf32, #tpu.memory_space<vmem_shared>> -> memref<632x128xf32, #tpu.memory_space<vmem_shared>>
      %dma_start3A_63 = arith.constant 0 : i32
      %dma_start3A_64 = tpu.memref_slice %arg5[%mul3A_2, %dma_start3A_63] : memref<10112x128xf32, #tpu.memory_space<hbm>> -> memref<632x128xf32, #tpu.memory_space<hbm>>
      tpu.enqueue_dma source(%dma_start3A_64 : memref<632x128xf32, #tpu.memory_space<hbm>>) target(%dma_start3A_62 : memref<632x128xf32, #tpu.memory_space<vmem_shared>>) target_semaphore(%run_scoped3A_60 : memref<!tpu.dma_semaphore, #tpu.memory_space<semaphore_mem>>)
      %dma_wait3A_65 = arith.constant 0 : i32
      %dma_wait3A_66 = tpu.memref_slice %arg8[%mul3A_4, %dma_wait3A_65] : memref<10112x128xf32, #tpu.memory_space<vmem_shared>> -> memref<632x128xf32, #tpu.memory_space<vmem_shared>>
      %dma_wait3A_67 = arith.constant 0 : i32
      %dma_wait3A_68 = tpu.memref_slice %arg5[%mul3A_2, %dma_wait3A_67] : memref<10112x128xf32, #tpu.memory_space<hbm>> -> memref<632x128xf32, #tpu.memory_space<hbm>>
      tpu.wait_dma2 semaphore(%run_scoped3A_60 : memref<!tpu.dma_semaphore, #tpu.memory_space<semaphore_mem>>) src(%dma_wait3A_68 : memref<632x128xf32, #tpu.memory_space<hbm>>) dst(%dma_wait3A_66 : memref<632x128xf32, #tpu.memory_space<vmem_shared>>)
      tpu.yield
    }) : () -> ()
    %scan3A = arith.constant 0 : i32
    %scan3A_5 = arith.constant 0 : i32
    %scan3A_6 = arith.constant 632 : i32
    %scan3A_7 = arith.addi %scan3A_5, %scan3A_6 : i32
    %scan3A_8 = arith.constant 1 : i32
    scf.for %scan3A_60 = %scan3A_5 to %scan3A_7 step %scan3A_8  : i32 {
      %broadcast_in_dim3A_61 = arith.constant 0.000000e+00 : f32
      %broadcast_in_dim3A_62 = vector.broadcast %broadcast_in_dim3A_61 : f32 to vector<16xf32>
      %mul3A_63 = arith.constant 16 : i32
      %mul3A_64 = arith.muli %scan3A_60, %mul3A_63 : i32
      %swap3A = arith.index_cast %mul3A_64 : i32 to index
      %swap3A_65 = tpu.vector_load %arg15[%swap3A] {strides = array<i32>} : memref<10112xf32, #tpu.memory_space<vmem>>, vector<16xf32>,
      tpu.vector_store %arg15[%swap3A], %broadcast_in_dim3A_62 {strides = array<i32>} : memref<10112xf32, #tpu.memory_space<vmem>>, vector<16xf32>,
    }
    %scan3A_9 = arith.constant 632 : i32
    %run_scoped3A = arith.constant 0 : i32
    "tpu.region"() ({
      %run_scoped3A_60 = tpu.sem_alloc : memref<!tpu.dma_semaphore, #tpu.memory_space<semaphore_mem>>
      %dma_start3A_61 = arith.constant 0 : i32
      %dma_start3A_62 = arith.constant 0 : i32
      %dma_start3A_63 = tpu.memref_slice %arg9[%run_scoped3A, %dma_start3A_61, %dma_start3A_62] : memref<2x8x128xi32, #tpu.memory_space<vmem>> -> memref<1x8x128xi32, #tpu.memory_space<vmem>>
      %dma_start3A_64 = tpu.memref_squeeze %dma_start3A_63 : memref<1x8x128xi32, #tpu.memory_space<vmem>> -> memref<8x128xi32, #tpu.memory_space<vmem>>
      %dma_start3A_65 = arith.constant 0 : i32
      %dma_start3A_66 = arith.constant 0 : i32
      %dma_start3A_67 = tpu.memref_slice %arg3[%add3A, %dma_start3A_65, %dma_start3A_66] : memref<32x80x128xi32, #tpu.memory_space<hbm>> -> memref<1x8x128xi32, #tpu.memory_space<hbm>>
      %dma_start3A_68 = tpu.memref_squeeze %dma_start3A_67 : memref<1x8x128xi32, #tpu.memory_space<hbm>> -> memref<8x128xi32, #tpu.memory_space<hbm>>
      %dma_start3A_69 = arith.constant 0 : i32
      %dma_start3A_70 = arith.constant 0 : i32
      %dma_start3A_71 = tpu.memref_slice %arg9[%run_scoped3A, %dma_start3A_69, %dma_start3A_70] : memref<2x8x128xi32, #tpu.memory_space<vmem>> -> memref<1x8x128xi32, #tpu.memory_space<vmem>>
      %dma_start3A_72 = tpu.memref_squeeze %dma_start3A_71 : memref<1x8x128xi32, #tpu.memory_space<vmem>> -> memref<8x128xi32, #tpu.memory_space<vmem>>
      %dma_start3A_73 = arith.constant 0 : i32
      %dma_start3A_74 = arith.constant 0 : i32
      %dma_start3A_75 = tpu.memref_slice %arg3[%add3A, %dma_start3A_73, %dma_start3A_74] : memref<32x80x128xi32, #tpu.memory_space<hbm>> -> memref<1x8x128xi32, #tpu.memory_space<hbm>>
      %dma_start3A_76 = tpu.memref_squeeze %dma_start3A_75 : memref<1x8x128xi32, #tpu.memory_space<hbm>> -> memref<8x128xi32, #tpu.memory_space<hbm>>
      tpu.enqueue_dma source(%dma_start3A_76 : memref<8x128xi32, #tpu.memory_space<hbm>>) target(%dma_start3A_72 : memref<8x128xi32, #tpu.memory_space<vmem>>) target_semaphore(%run_scoped3A_60 : memref<!tpu.dma_semaphore, #tpu.memory_space<semaphore_mem>>)
      %dma_wait3A_77 = arith.constant 0 : i32
      %dma_wait3A_78 = arith.constant 0 : i32
      %dma_wait3A_79 = tpu.memref_slice %arg9[%run_scoped3A, %dma_wait3A_77, %dma_wait3A_78] : memref<2x8x128xi32, #tpu.memory_space<vmem>> -> memref<1x8x128xi32, #tpu.memory_space<vmem>>
      %dma_wait3A_80 = tpu.memref_squeeze %dma_wait3A_79 : memref<1x8x128xi32, #tpu.memory_space<vmem>> -> memref<8x128xi32, #tpu.memory_space<vmem>>
      %dma_wait3A_81 = arith.constant 0 : i32
      %dma_wait3A_82 = arith.constant 0 : i32
      %dma_wait3A_83 = tpu.memref_slice %arg3[%add3A, %dma_wait3A_81, %dma_wait3A_82] : memref<32x80x128xi32, #tpu.memory_space<hbm>> -> memref<1x8x128xi32, #tpu.memory_space<hbm>>
      %dma_wait3A_84 = tpu.memref_squeeze %dma_wait3A_83 : memref<1x8x128xi32, #tpu.memory_space<hbm>> -> memref<8x128xi32, #tpu.memory_space<hbm>>
      %dma_wait3A_85 = arith.constant 0 : i32
      %dma_wait3A_86 = arith.constant 0 : i32
      %dma_wait3A_87 = tpu.memref_slice %arg9[%run_scoped3A, %dma_wait3A_85, %dma_wait3A_86] : memref<2x8x128xi32, #tpu.memory_space<vmem>> -> memref<1x8x128xi32, #tpu.memory_space<vmem>>
      %dma_wait3A_88 = tpu.memref_squeeze %dma_wait3A_87 : memref<1x8x128xi32, #tpu.memory_space<vmem>> -> memref<8x128xi32, #tpu.memory_space<vmem>>
      %dma_wait3A_89 = arith.constant 0 : i32
      %dma_wait3A_90 = arith.constant 0 : i32
      %dma_wait3A_91 = tpu.memref_slice %arg3[%add3A, %dma_wait3A_89, %dma_wait3A_90] : memref<32x80x128xi32, #tpu.memory_space<hbm>> -> memref<1x8x128xi32, #tpu.memory_space<hbm>>
      %dma_wait3A_92 = tpu.memref_squeeze %dma_wait3A_91 : memref<1x8x128xi32, #tpu.memory_space<hbm>> -> memref<8x128xi32, #tpu.memory_space<hbm>>
      tpu.wait_dma2 semaphore(%run_scoped3A_60 : memref<!tpu.dma_semaphore, #tpu.memory_space<semaphore_mem>>) src(%dma_wait3A_92 : memref<8x128xi32, #tpu.memory_space<hbm>>) dst(%dma_wait3A_88 : memref<8x128xi32, #tpu.memory_space<vmem>>)
      tpu.yield
    }) : () -> ()
    %run_scoped3A_10 = arith.constant 0 : i32
    "tpu.region"() ({
      %run_scoped3A_60 = tpu.sem_alloc : memref<!tpu.dma_semaphore, #tpu.memory_space<semaphore_mem>>
      %dma_start3A_61 = arith.constant 0 : i32
      %dma_start3A_62 = arith.constant 0 : i32
      %dma_start3A_63 = tpu.memref_slice %arg10[%run_scoped3A_10, %dma_start3A_61, %dma_start3A_62] : memref<2x8x128xi32, #tpu.memory_space<vmem>> -> memref<1x8x128xi32, #tpu.memory_space<vmem>>
      %dma_start3A_64 = tpu.memref_squeeze %dma_start3A_63 : memref<1x8x128xi32, #tpu.memory_space<vmem>> -> memref<8x128xi32, #tpu.memory_space<vmem>>
      %dma_start3A_65 = arith.constant 0 : i32
      %dma_start3A_66 = arith.constant 0 : i32
      %dma_start3A_67 = tpu.memref_slice %arg4[%add3A, %dma_start3A_65, %dma_start3A_66] : memref<32x80x128xi32, #tpu.memory_space<hbm>> -> memref<1x8x128xi32, #tpu.memory_space<hbm>>
      %dma_start3A_68 = tpu.memref_squeeze %dma_start3A_67 : memref<1x8x128xi32, #tpu.memory_space<hbm>> -> memref<8x128xi32, #tpu.memory_space<hbm>>
      %dma_start3A_69 = arith.constant 0 : i32
      %dma_start3A_70 = arith.constant 0 : i32
      %dma_start3A_71 = tpu.memref_slice %arg10[%run_scoped3A_10, %dma_start3A_69, %dma_start3A_70] : memref<2x8x128xi32, #tpu.memory_space<vmem>> -> memref<1x8x128xi32, #tpu.memory_space<vmem>>
      %dma_start3A_72 = tpu.memref_squeeze %dma_start3A_71 : memref<1x8x128xi32, #tpu.memory_space<vmem>> -> memref<8x128xi32, #tpu.memory_space<vmem>>
      %dma_start3A_73 = arith.constant 0 : i32
      %dma_start3A_74 = arith.constant 0 : i32
      %dma_start3A_75 = tpu.memref_slice %arg4[%add3A, %dma_start3A_73, %dma_start3A_74] : memref<32x80x128xi32, #tpu.memory_space<hbm>> -> memref<1x8x128xi32, #tpu.memory_space<hbm>>
      %dma_start3A_76 = tpu.memref_squeeze %dma_start3A_75 : memref<1x8x128xi32, #tpu.memory_space<hbm>> -> memref<8x128xi32, #tpu.memory_space<hbm>>
      tpu.enqueue_dma source(%dma_start3A_76 : memref<8x128xi32, #tpu.memory_space<hbm>>) target(%dma_start3A_72 : memref<8x128xi32, #tpu.memory_space<vmem>>) target_semaphore(%run_scoped3A_60 : memref<!tpu.dma_semaphore, #tpu.memory_space<semaphore_mem>>)
      %dma_wait3A_77 = arith.constant 0 : i32
      %dma_wait3A_78 = arith.constant 0 : i32
      %dma_wait3A_79 = tpu.memref_slice %arg10[%run_scoped3A_10, %dma_wait3A_77, %dma_wait3A_78] : memref<2x8x128xi32, #tpu.memory_space<vmem>> -> memref<1x8x128xi32, #tpu.memory_space<vmem>>
      %dma_wait3A_80 = tpu.memref_squeeze %dma_wait3A_79 : memref<1x8x128xi32, #tpu.memory_space<vmem>> -> memref<8x128xi32, #tpu.memory_space<vmem>>
      %dma_wait3A_81 = arith.constant 0 : i32
      %dma_wait3A_82 = arith.constant 0 : i32
      %dma_wait3A_83 = tpu.memref_slice %arg4[%add3A, %dma_wait3A_81, %dma_wait3A_82] : memref<32x80x128xi32, #tpu.memory_space<hbm>> -> memref<1x8x128xi32, #tpu.memory_space<hbm>>
      %dma_wait3A_84 = tpu.memref_squeeze %dma_wait3A_83 : memref<1x8x128xi32, #tpu.memory_space<hbm>> -> memref<8x128xi32, #tpu.memory_space<hbm>>
      %dma_wait3A_85 = arith.constant 0 : i32
      %dma_wait3A_86 = arith.constant 0 : i32
      %dma_wait3A_87 = tpu.memref_slice %arg10[%run_scoped3A_10, %dma_wait3A_85, %dma_wait3A_86] : memref<2x8x128xi32, #tpu.memory_space<vmem>> -> memref<1x8x128xi32, #tpu.memory_space<vmem>>
      %dma_wait3A_88 = tpu.memref_squeeze %dma_wait3A_87 : memref<1x8x128xi32, #tpu.memory_space<vmem>> -> memref<8x128xi32, #tpu.memory_space<vmem>>
      %dma_wait3A_89 = arith.constant 0 : i32
      %dma_wait3A_90 = arith.constant 0 : i32
      %dma_wait3A_91 = tpu.memref_slice %arg4[%add3A, %dma_wait3A_89, %dma_wait3A_90] : memref<32x80x128xi32, #tpu.memory_space<hbm>> -> memref<1x8x128xi32, #tpu.memory_space<hbm>>
      %dma_wait3A_92 = tpu.memref_squeeze %dma_wait3A_91 : memref<1x8x128xi32, #tpu.memory_space<hbm>> -> memref<8x128xi32, #tpu.memory_space<hbm>>
      tpu.wait_dma2 semaphore(%run_scoped3A_60 : memref<!tpu.dma_semaphore, #tpu.memory_space<semaphore_mem>>) src(%dma_wait3A_92 : memref<8x128xi32, #tpu.memory_space<hbm>>) dst(%dma_wait3A_88 : memref<8x128xi32, #tpu.memory_space<vmem>>)
      tpu.yield
    }) : () -> ()
    %dma_start3A = arith.constant 0 : i32
    %dma_start3A_11 = arith.constant 0 : i32
    %dma_start3A_12 = arith.constant 0 : i32
    %dma_start3A_13 = arith.constant 0 : i32
    %dma_start3A_14 = arith.constant 0 : i32
    %dma_start3A_15 = tpu.memref_slice %arg11[%dma_start3A_12, %dma_start3A_13, %dma_start3A_14] : memref<2x128x128xf32, #tpu.memory_space<vmem>> -> memref<1x64x128xf32, #tpu.memory_space<vmem>>
    %dma_start3A_16 = tpu.memref_squeeze %dma_start3A_15 : memref<1x64x128xf32, #tpu.memory_space<vmem>> -> memref<64x128xf32, #tpu.memory_space<vmem>>
    %dma_start3A_17 = arith.constant 0 : i32
    %dma_start3A_18 = tpu.memref_slice %arg9[%dma_start3A, %dma_start3A_11, %dma_start3A_17] : memref<2x8x128xi32, #tpu.memory_space<vmem>> -> memref<1x1x64xi32, #tpu.memory_space<vmem>>
    %dma_start3A_19 = tpu.memref_squeeze %dma_start3A_18 : memref<1x1x64xi32, #tpu.memory_space<vmem>> -> memref<64xi32, #tpu.memory_space<vmem>>
    %dma_start3A_20 = arith.constant 0 : i32
    %dma_start3A_21 = arith.constant 0 : i32
    %dma_start3A_22 = tpu.memref_slice %arg2[%dma_start3A_20, %dma_start3A_21] : memref<10112x128xf32, #tpu.memory_space<hbm>> -> memref<10112x128xf32, #tpu.memory_space<hbm>>
    tpu.enqueue_indirect_dma source(%dma_start3A_22 : memref<10112x128xf32, #tpu.memory_space<hbm>>) target(%dma_start3A_16 : memref<64x128xf32, #tpu.memory_space<vmem>>) offsets(%dma_start3A_19 : memref<64xi32, #tpu.memory_space<vmem>>) semaphore(%arg12 : memref<!tpu.dma_semaphore, #tpu.memory_space<semaphore_mem>>)
    %dma_start3A_23 = arith.constant 0 : i32
    %dma_start3A_24 = arith.constant 0 : i32
    %dma_start3A_25 = arith.constant 0 : i32
    %dma_start3A_26 = arith.constant 64 : i32
    %dma_start3A_27 = arith.constant 0 : i32
    %dma_start3A_28 = tpu.memref_slice %arg11[%dma_start3A_25, %dma_start3A_26, %dma_start3A_27] : memref<2x128x128xf32, #tpu.memory_space<vmem>> -> memref<1x64x128xf32, #tpu.memory_space<vmem>>
    %dma_start3A_29 = tpu.memref_squeeze %dma_start3A_28 : memref<1x64x128xf32, #tpu.memory_space<vmem>> -> memref<64x128xf32, #tpu.memory_space<vmem>>
    %dma_start3A_30 = arith.constant 64 : i32
    %dma_start3A_31 = tpu.memref_slice %arg9[%dma_start3A_23, %dma_start3A_24, %dma_start3A_30] : memref<2x8x128xi32, #tpu.memory_space<vmem>> -> memref<1x1x64xi32, #tpu.memory_space<vmem>>
    %dma_start3A_32 = tpu.memref_squeeze %dma_start3A_31 : memref<1x1x64xi32, #tpu.memory_space<vmem>> -> memref<64xi32, #tpu.memory_space<vmem>>
    %dma_start3A_33 = arith.constant 0 : i32
    %dma_start3A_34 = arith.constant 0 : i32
    %dma_start3A_35 = tpu.memref_slice %arg2[%dma_start3A_33, %dma_start3A_34] : memref<10112x128xf32, #tpu.memory_space<hbm>> -> memref<10112x128xf32, #tpu.memory_space<hbm>>
    tpu.enqueue_indirect_dma source(%dma_start3A_35 : memref<10112x128xf32, #tpu.memory_space<hbm>>) target(%dma_start3A_29 : memref<64x128xf32, #tpu.memory_space<vmem>>) offsets(%dma_start3A_32 : memref<64xi32, #tpu.memory_space<vmem>>) semaphore(%arg12 : memref<!tpu.dma_semaphore, #tpu.memory_space<semaphore_mem>>)
    %barrier3A = arith.constant 0 : index
    tpu.barrier barrier_id(%barrier3A)
    %broadcast_in_dim3A = arith.constant 1.000000e+00 : f32
    %broadcast_in_dim3A_36 = vector.broadcast %broadcast_in_dim3A : f32 to vector<16xf32>
    %scan3A_37 = arith.constant 0 : i32
    %scan3A_38 = arith.constant 0 : i32
    %scan3A_39 = arith.constant 80 : i32
    %scan3A_40 = arith.addi %scan3A_38, %scan3A_39 : i32
    %scan3A_41 = arith.constant 1 : i32
    scf.for %scan3A_60 = %scan3A_38 to %scan3A_40 step %scan3A_41  : i32 {
      %jit3A = arith.constant 2 : i32
      %eq3A = arith.constant 0 : i32
      %eq3A_61 = arith.cmpi eq, %jit3A, %eq3A : i32
      %jit3A_62 = arith.constant 1 : i32
      %select_n3A = arith.select %eq3A_61, %jit3A_62, %jit3A : i32
      %rem3A = arith.remsi %scan3A_60, %select_n3A : i32
      %ne3A = arith.constant 0 : i32
      %ne3A_63 = arith.cmpi ne, %rem3A, %ne3A : i32
      %lt3A = arith.constant 0 : i32
      %lt3A_64 = arith.cmpi slt, %rem3A, %lt3A : i32
      %lt3A_65 = arith.constant 0 : i32
      %lt3A_66 = arith.cmpi slt, %select_n3A, %lt3A_65 : i32
      %ne3A_67 = arith.xori %lt3A_64, %lt3A_66 : i1
      %and3A = arith.andi %ne3A_67, %ne3A_63 : i1
      %add3A_68 = arith.addi %rem3A, %select_n3A : i32
      %select_n3A_69 = arith.select %and3A, %add3A_68, %rem3A : i32
      %jit3A_70 = arith.constant 8 : i32
      %div3A = arith.divsi %scan3A_60, %jit3A_70 : i32
      %sign3A = arith.constant 0 : i32
      %sign3A_71 = arith.cmpi sgt, %scan3A_60, %sign3A : i32
      %sign3A_72 = arith.extui %sign3A_71 : i1 to i32
      %sign3A_73 = arith.constant 0 : i32
      %sign3A_74 = arith.cmpi slt, %scan3A_60, %sign3A_73 : i32
      %sign3A_75 = arith.extui %sign3A_74 : i1 to i32
      %sign3A_76 = arith.subi %sign3A_72, %sign3A_75 : i32
      %sign3A_77 = arith.constant 0 : i32
      %sign3A_78 = arith.cmpi sgt, %jit3A_70, %sign3A_77 : i32
      %sign3A_79 = arith.extui %sign3A_78 : i1 to i32
      %sign3A_80 = arith.constant 0 : i32
      %sign3A_81 = arith.cmpi slt, %jit3A_70, %sign3A_80 : i32
      %sign3A_82 = arith.extui %sign3A_81 : i1 to i32
      %sign3A_83 = arith.subi %sign3A_79, %sign3A_82 : i32
      %ne3A_84 = arith.cmpi ne, %sign3A_76, %sign3A_83 : i32
      %rem3A_85 = arith.remsi %scan3A_60, %jit3A_70 : i32
      %ne3A_86 = arith.constant 0 : i32
      %ne3A_87 = arith.cmpi ne, %rem3A_85, %ne3A_86 : i32
      %and3A_88 = arith.andi %ne3A_84, %ne3A_87 : i1
      %sub3A = arith.constant 1 : i32
      %sub3A_89 = arith.subi %div3A, %sub3A : i32
      %select_n3A_90 = arith.select %and3A_88, %sub3A_89, %div3A : i32
      %jit3A_91 = arith.constant 2 : i32
      %eq3A_92 = arith.constant 0 : i32
      %eq3A_93 = arith.cmpi eq, %jit3A_91, %eq3A_92 : i32
      %jit3A_94 = arith.constant 1 : i32
      %select_n3A_95 = arith.select %eq3A_93, %jit3A_94, %jit3A_91 : i32
      %rem3A_96 = arith.remsi %select_n3A_90, %select_n3A_95 : i32
      %ne3A_97 = arith.constant 0 : i32
      %ne3A_98 = arith.cmpi ne, %rem3A_96, %ne3A_97 : i32
      %lt3A_99 = arith.constant 0 : i32
      %lt3A_100 = arith.cmpi slt, %rem3A_96, %lt3A_99 : i32
      %lt3A_101 = arith.constant 0 : i32
      %lt3A_102 = arith.cmpi slt, %select_n3A_95, %lt3A_101 : i32
      %ne3A_103 = arith.xori %lt3A_100, %lt3A_102 : i1
      %and3A_104 = arith.andi %ne3A_103, %ne3A_98 : i1
      %add3A_105 = arith.addi %rem3A_96, %select_n3A_95 : i32
      %select_n3A_106 = arith.select %and3A_104, %add3A_105, %rem3A_96 : i32
      %jit3A_107 = arith.constant 8 : i32
      %eq3A_108 = arith.constant 0 : i32
      %eq3A_109 = arith.cmpi eq, %jit3A_107, %eq3A_108 : i32
      %jit3A_110 = arith.constant 1 : i32
      %select_n3A_111 = arith.select %eq3A_109, %jit3A_110, %jit3A_107 : i32
      %rem3A_112 = arith.remsi %scan3A_60, %select_n3A_111 : i32
      %ne3A_113 = arith.constant 0 : i32
      %ne3A_114 = arith.cmpi ne, %rem3A_112, %ne3A_113 : i32
      %lt3A_115 = arith.constant 0 : i32
      %lt3A_116 = arith.cmpi slt, %rem3A_112, %lt3A_115 : i32
      %lt3A_117 = arith.constant 0 : i32
      %lt3A_118 = arith.cmpi slt, %select_n3A_111, %lt3A_117 : i32
      %ne3A_119 = arith.xori %lt3A_116, %lt3A_118 : i1
      %and3A_120 = arith.andi %ne3A_119, %ne3A_114 : i1
      %add3A_121 = arith.addi %rem3A_112, %select_n3A_111 : i32
      %select_n3A_122 = arith.select %and3A_120, %add3A_121, %rem3A_112 : i32
      %add3A_123 = arith.constant 1 : i32
      %add3A_124 = arith.addi %scan3A_60, %add3A_123 : i32
      %eq3A_125 = arith.constant 0 : i32
      %eq3A_126 = arith.cmpi eq, %select_n3A_122, %eq3A_125 : i32
      %add3A_127 = arith.constant 1 : i32
      %add3A_128 = arith.addi %select_n3A_90, %add3A_127 : i32
      %lt3A_129 = arith.constant 10 : i32
      %lt3A_130 = arith.cmpi slt, %add3A_128, %lt3A_129 : i32
      %and3A_131 = arith.andi %eq3A_126, %lt3A_130 : i1
      %convert_element_type3A = arith.extui %and3A_131 : i1 to i32
      %cond3A = arith.constant 0 : i32
      %cond3A_132 = arith.cmpi ne, %convert_element_type3A, %cond3A : i32
      scf.if %cond3A_132 {
        %add3A_213 = arith.constant 1 : i32
        %add3A_214 = arith.addi %select_n3A_90, %add3A_213 : i32
        %mul3A_215 = arith.constant 8 : i32
        %mul3A_216 = arith.muli %add3A_214, %mul3A_215 : i32
        %sub3A_217 = arith.constant 1 : i32
        %sub3A_218 = arith.subi %sub3A_217, %select_n3A_106 : i32
        %dma_start3A_219 = arith.constant 0 : i32
        %dma_start3A_220 = arith.constant 0 : i32
        %dma_start3A_221 = tpu.memref_slice %arg9[%sub3A_218, %dma_start3A_219, %dma_start3A_220] : memref<2x8x128xi32, #tpu.memory_space<vmem>> -> memref<1x8x128xi32, #tpu.memory_space<vmem>>
        %dma_start3A_222 = tpu.memref_squeeze %dma_start3A_221 : memref<1x8x128xi32, #tpu.memory_space<vmem>> -> memref<8x128xi32, #tpu.memory_space<vmem>>
        %dma_start3A_223 = arith.constant 0 : i32
        %dma_start3A_224 = tpu.memref_slice %arg3[%add3A, %mul3A_216, %dma_start3A_223] : memref<32x80x128xi32, #tpu.memory_space<hbm>> -> memref<1x8x128xi32, #tpu.memory_space<hbm>>
        %dma_start3A_225 = tpu.memref_squeeze %dma_start3A_224 : memref<1x8x128xi32, #tpu.memory_space<hbm>> -> memref<8x128xi32, #tpu.memory_space<hbm>>
        %dma_start3A_226 = arith.constant 0 : i32
        %dma_start3A_227 = arith.constant 0 : i32
        %dma_start3A_228 = tpu.memref_slice %arg9[%sub3A_218, %dma_start3A_226, %dma_start3A_227] : memref<2x8x128xi32, #tpu.memory_space<vmem>> -> memref<1x8x128xi32, #tpu.memory_space<vmem>>
        %dma_start3A_229 = tpu.memref_squeeze %dma_start3A_228 : memref<1x8x128xi32, #tpu.memory_space<vmem>> -> memref<8x128xi32, #tpu.memory_space<vmem>>
        %dma_start3A_230 = arith.constant 0 : i32
        %dma_start3A_231 = tpu.memref_slice %arg3[%add3A, %mul3A_216, %dma_start3A_230] : memref<32x80x128xi32, #tpu.memory_space<hbm>> -> memref<1x8x128xi32, #tpu.memory_space<hbm>>
        %dma_start3A_232 = tpu.memref_squeeze %dma_start3A_231 : memref<1x8x128xi32, #tpu.memory_space<hbm>> -> memref<8x128xi32, #tpu.memory_space<hbm>>
        tpu.enqueue_dma source(%dma_start3A_232 : memref<8x128xi32, #tpu.memory_space<hbm>>) target(%dma_start3A_229 : memref<8x128xi32, #tpu.memory_space<vmem>>) target_semaphore(%arg13 : memref<!tpu.dma_semaphore, #tpu.memory_space<semaphore_mem>>)
        %add3A_233 = arith.constant 1 : i32
        %add3A_234 = arith.addi %select_n3A_90, %add3A_233 : i32
        %mul3A_235 = arith.constant 8 : i32
        %mul3A_236 = arith.muli %add3A_234, %mul3A_235 : i32
        %sub3A_237 = arith.constant 1 : i32
        %sub3A_238 = arith.subi %sub3A_237, %select_n3A_106 : i32
        %dma_start3A_239 = arith.constant 0 : i32
        %dma_start3A_240 = arith.constant 0 : i32
        %dma_start3A_241 = tpu.memref_slice %arg10[%sub3A_238, %dma_start3A_239, %dma_start3A_240] : memref<2x8x128xi32, #tpu.memory_space<vmem>> -> memref<1x8x128xi32, #tpu.memory_space<vmem>>
        %dma_start3A_242 = tpu.memref_squeeze %dma_start3A_241 : memref<1x8x128xi32, #tpu.memory_space<vmem>> -> memref<8x128xi32, #tpu.memory_space<vmem>>
        %dma_start3A_243 = arith.constant 0 : i32
        %dma_start3A_244 = tpu.memref_slice %arg4[%add3A, %mul3A_236, %dma_start3A_243] : memref<32x80x128xi32, #tpu.memory_space<hbm>> -> memref<1x8x128xi32, #tpu.memory_space<hbm>>
        %dma_start3A_245 = tpu.memref_squeeze %dma_start3A_244 : memref<1x8x128xi32, #tpu.memory_space<hbm>> -> memref<8x128xi32, #tpu.memory_space<hbm>>
        %dma_start3A_246 = arith.constant 0 : i32
        %dma_start3A_247 = arith.constant 0 : i32
        %dma_start3A_248 = tpu.memref_slice %arg10[%sub3A_238, %dma_start3A_246, %dma_start3A_247] : memref<2x8x128xi32, #tpu.memory_space<vmem>> -> memref<1x8x128xi32, #tpu.memory_space<vmem>>
        %dma_start3A_249 = tpu.memref_squeeze %dma_start3A_248 : memref<1x8x128xi32, #tpu.memory_space<vmem>> -> memref<8x128xi32, #tpu.memory_space<vmem>>
        %dma_start3A_250 = arith.constant 0 : i32
        %dma_start3A_251 = tpu.memref_slice %arg4[%add3A, %mul3A_236, %dma_start3A_250] : memref<32x80x128xi32, #tpu.memory_space<hbm>> -> memref<1x8x128xi32, #tpu.memory_space<hbm>>
        %dma_start3A_252 = tpu.memref_squeeze %dma_start3A_251 : memref<1x8x128xi32, #tpu.memory_space<hbm>> -> memref<8x128xi32, #tpu.memory_space<hbm>>
        tpu.enqueue_dma source(%dma_start3A_252 : memref<8x128xi32, #tpu.memory_space<hbm>>) target(%dma_start3A_249 : memref<8x128xi32, #tpu.memory_space<vmem>>) target_semaphore(%arg13 : memref<!tpu.dma_semaphore, #tpu.memory_space<semaphore_mem>>)
      } else {
      }
      %eq3A_133 = arith.constant 7 : i32
      %eq3A_134 = arith.cmpi eq, %select_n3A_122, %eq3A_133 : i32
      %add3A_135 = arith.constant 1 : i32
      %add3A_136 = arith.addi %select_n3A_90, %add3A_135 : i32
      %lt3A_137 = arith.constant 10 : i32
      %lt3A_138 = arith.cmpi slt, %add3A_136, %lt3A_137 : i32
      %and3A_139 = arith.andi %eq3A_134, %lt3A_138 : i1
      %convert_element_type3A_140 = arith.extui %and3A_139 : i1 to i32
      %cond3A_141 = arith.constant 0 : i32
      %cond3A_142 = arith.cmpi ne, %convert_element_type3A_140, %cond3A_141 : i32
      scf.if %cond3A_142 {
        %add3A_213 = arith.constant 1 : i32
        %add3A_214 = arith.addi %select_n3A_90, %add3A_213 : i32
        %mul3A_215 = arith.constant 8 : i32
        %mul3A_216 = arith.muli %add3A_214, %mul3A_215 : i32
        %sub3A_217 = arith.constant 1 : i32
        %sub3A_218 = arith.subi %sub3A_217, %select_n3A_106 : i32
        %dma_wait3A_219 = arith.constant 0 : i32
        %dma_wait3A_220 = arith.constant 0 : i32
        %dma_wait3A_221 = tpu.memref_slice %arg9[%sub3A_218, %dma_wait3A_219, %dma_wait3A_220] : memref<2x8x128xi32, #tpu.memory_space<vmem>> -> memref<1x8x128xi32, #tpu.memory_space<vmem>>
        %dma_wait3A_222 = tpu.memref_squeeze %dma_wait3A_221 : memref<1x8x128xi32, #tpu.memory_space<vmem>> -> memref<8x128xi32, #tpu.memory_space<vmem>>
        %dma_wait3A_223 = arith.constant 0 : i32
        %dma_wait3A_224 = tpu.memref_slice %arg3[%add3A, %mul3A_216, %dma_wait3A_223] : memref<32x80x128xi32, #tpu.memory_space<hbm>> -> memref<1x8x128xi32, #tpu.memory_space<hbm>>
        %dma_wait3A_225 = tpu.memref_squeeze %dma_wait3A_224 : memref<1x8x128xi32, #tpu.memory_space<hbm>> -> memref<8x128xi32, #tpu.memory_space<hbm>>
        %dma_wait3A_226 = arith.constant 0 : i32
        %dma_wait3A_227 = arith.constant 0 : i32
        %dma_wait3A_228 = tpu.memref_slice %arg9[%sub3A_218, %dma_wait3A_226, %dma_wait3A_227] : memref<2x8x128xi32, #tpu.memory_space<vmem>> -> memref<1x8x128xi32, #tpu.memory_space<vmem>>
        %dma_wait3A_229 = tpu.memref_squeeze %dma_wait3A_228 : memref<1x8x128xi32, #tpu.memory_space<vmem>> -> memref<8x128xi32, #tpu.memory_space<vmem>>
        %dma_wait3A_230 = arith.constant 0 : i32
        %dma_wait3A_231 = tpu.memref_slice %arg3[%add3A, %mul3A_216, %dma_wait3A_230] : memref<32x80x128xi32, #tpu.memory_space<hbm>> -> memref<1x8x128xi32, #tpu.memory_space<hbm>>
        %dma_wait3A_232 = tpu.memref_squeeze %dma_wait3A_231 : memref<1x8x128xi32, #tpu.memory_space<hbm>> -> memref<8x128xi32, #tpu.memory_space<hbm>>
        tpu.wait_dma2 semaphore(%arg13 : memref<!tpu.dma_semaphore, #tpu.memory_space<semaphore_mem>>) src(%dma_wait3A_232 : memref<8x128xi32, #tpu.memory_space<hbm>>) dst(%dma_wait3A_229 : memref<8x128xi32, #tpu.memory_space<vmem>>)
        %add3A_233 = arith.constant 1 : i32
        %add3A_234 = arith.addi %select_n3A_90, %add3A_233 : i32
        %mul3A_235 = arith.constant 8 : i32
        %mul3A_236 = arith.muli %add3A_234, %mul3A_235 : i32
        %sub3A_237 = arith.constant 1 : i32
        %sub3A_238 = arith.subi %sub3A_237, %select_n3A_106 : i32
        %dma_wait3A_239 = arith.constant 0 : i32
        %dma_wait3A_240 = arith.constant 0 : i32
        %dma_wait3A_241 = tpu.memref_slice %arg10[%sub3A_238, %dma_wait3A_239, %dma_wait3A_240] : memref<2x8x128xi32, #tpu.memory_space<vmem>> -> memref<1x8x128xi32, #tpu.memory_space<vmem>>
        %dma_wait3A_242 = tpu.memref_squeeze %dma_wait3A_241 : memref<1x8x128xi32, #tpu.memory_space<vmem>> -> memref<8x128xi32, #tpu.memory_space<vmem>>
        %dma_wait3A_243 = arith.constant 0 : i32
        %dma_wait3A_244 = tpu.memref_slice %arg4[%add3A, %mul3A_236, %dma_wait3A_243] : memref<32x80x128xi32, #tpu.memory_space<hbm>> -> memref<1x8x128xi32, #tpu.memory_space<hbm>>
        %dma_wait3A_245 = tpu.memref_squeeze %dma_wait3A_244 : memref<1x8x128xi32, #tpu.memory_space<hbm>> -> memref<8x128xi32, #tpu.memory_space<hbm>>
        %dma_wait3A_246 = arith.constant 0 : i32
        %dma_wait3A_247 = arith.constant 0 : i32
        %dma_wait3A_248 = tpu.memref_slice %arg10[%sub3A_238, %dma_wait3A_246, %dma_wait3A_247] : memref<2x8x128xi32, #tpu.memory_space<vmem>> -> memref<1x8x128xi32, #tpu.memory_space<vmem>>
        %dma_wait3A_249 = tpu.memref_squeeze %dma_wait3A_248 : memref<1x8x128xi32, #tpu.memory_space<vmem>> -> memref<8x128xi32, #tpu.memory_space<vmem>>
        %dma_wait3A_250 = arith.constant 0 : i32
        %dma_wait3A_251 = tpu.memref_slice %arg4[%add3A, %mul3A_236, %dma_wait3A_250] : memref<32x80x128xi32, #tpu.memory_space<hbm>> -> memref<1x8x128xi32, #tpu.memory_space<hbm>>
        %dma_wait3A_252 = tpu.memref_squeeze %dma_wait3A_251 : memref<1x8x128xi32, #tpu.memory_space<hbm>> -> memref<8x128xi32, #tpu.memory_space<hbm>>
        tpu.wait_dma2 semaphore(%arg13 : memref<!tpu.dma_semaphore, #tpu.memory_space<semaphore_mem>>) src(%dma_wait3A_252 : memref<8x128xi32, #tpu.memory_space<hbm>>) dst(%dma_wait3A_249 : memref<8x128xi32, #tpu.memory_space<vmem>>)
      } else {
      }
      %ge3A = arith.constant 1 : i32
      %ge3A_143 = arith.cmpi sge, %scan3A_60, %ge3A : i32
      %convert_element_type3A_144 = arith.extui %ge3A_143 : i1 to i32
      %cond3A_145 = arith.constant 0 : i32
      %cond3A_146 = arith.cmpi ne, %convert_element_type3A_144, %cond3A_145 : i32
      scf.if %cond3A_146 {
        %sub3A_213 = arith.constant 1 : i32
        %sub3A_214 = arith.subi %scan3A_60, %sub3A_213 : i32
        %jit3A_215 = arith.constant 8 : i32
        %div3A_216 = arith.divsi %sub3A_214, %jit3A_215 : i32
        %sign3A_217 = arith.constant 0 : i32
        %sign3A_218 = arith.cmpi sgt, %sub3A_214, %sign3A_217 : i32
        %sign3A_219 = arith.extui %sign3A_218 : i1 to i32
        %sign3A_220 = arith.constant 0 : i32
        %sign3A_221 = arith.cmpi slt, %sub3A_214, %sign3A_220 : i32
        %sign3A_222 = arith.extui %sign3A_221 : i1 to i32
        %sign3A_223 = arith.subi %sign3A_219, %sign3A_222 : i32
        %sign3A_224 = arith.constant 0 : i32
        %sign3A_225 = arith.cmpi sgt, %jit3A_215, %sign3A_224 : i32
        %sign3A_226 = arith.extui %sign3A_225 : i1 to i32
        %sign3A_227 = arith.constant 0 : i32
        %sign3A_228 = arith.cmpi slt, %jit3A_215, %sign3A_227 : i32
        %sign3A_229 = arith.extui %sign3A_228 : i1 to i32
        %sign3A_230 = arith.subi %sign3A_226, %sign3A_229 : i32
        %ne3A_231 = arith.cmpi ne, %sign3A_223, %sign3A_230 : i32
        %rem3A_232 = arith.remsi %sub3A_214, %jit3A_215 : i32
        %ne3A_233 = arith.constant 0 : i32
        %ne3A_234 = arith.cmpi ne, %rem3A_232, %ne3A_233 : i32
        %and3A_235 = arith.andi %ne3A_231, %ne3A_234 : i1
        %sub3A_236 = arith.constant 1 : i32
        %sub3A_237 = arith.subi %div3A_216, %sub3A_236 : i32
        %select_n3A_238 = arith.select %and3A_235, %sub3A_237, %div3A_216 : i32
        %jit3A_239 = arith.constant 2 : i32
        %eq3A_240 = arith.constant 0 : i32
        %eq3A_241 = arith.cmpi eq, %jit3A_239, %eq3A_240 : i32
        %jit3A_242 = arith.constant 1 : i32
        %select_n3A_243 = arith.select %eq3A_241, %jit3A_242, %jit3A_239 : i32
        %rem3A_244 = arith.remsi %select_n3A_238, %select_n3A_243 : i32
        %ne3A_245 = arith.constant 0 : i32
        %ne3A_246 = arith.cmpi ne, %rem3A_244, %ne3A_245 : i32
        %lt3A_247 = arith.constant 0 : i32
        %lt3A_248 = arith.cmpi slt, %rem3A_244, %lt3A_247 : i32
        %lt3A_249 = arith.constant 0 : i32
        %lt3A_250 = arith.cmpi slt, %select_n3A_243, %lt3A_249 : i32
        %ne3A_251 = arith.xori %lt3A_248, %lt3A_250 : i1
        %and3A_252 = arith.andi %ne3A_251, %ne3A_246 : i1
        %add3A_253 = arith.addi %rem3A_244, %select_n3A_243 : i32
        %select_n3A_254 = arith.select %and3A_252, %add3A_253, %rem3A_244 : i32
        %sub3A_255 = arith.constant 1 : i32
        %sub3A_256 = arith.subi %sub3A_255, %select_n3A_69 : i32
        %sub3A_257 = arith.constant 1 : i32
        %sub3A_258 = arith.subi %scan3A_60, %sub3A_257 : i32
        %jit3A_259 = arith.constant 8 : i32
        %eq3A_260 = arith.constant 0 : i32
        %eq3A_261 = arith.cmpi eq, %jit3A_259, %eq3A_260 : i32
        %jit3A_262 = arith.constant 1 : i32
        %select_n3A_263 = arith.select %eq3A_261, %jit3A_262, %jit3A_259 : i32
        %rem3A_264 = arith.remsi %sub3A_258, %select_n3A_263 : i32
        %ne3A_265 = arith.constant 0 : i32
        %ne3A_266 = arith.cmpi ne, %rem3A_264, %ne3A_265 : i32
        %lt3A_267 = arith.constant 0 : i32
        %lt3A_268 = arith.cmpi slt, %rem3A_264, %lt3A_267 : i32
        %lt3A_269 = arith.constant 0 : i32
        %lt3A_270 = arith.cmpi slt, %select_n3A_263, %lt3A_269 : i32
        %ne3A_271 = arith.xori %lt3A_268, %lt3A_270 : i1
        %and3A_272 = arith.andi %ne3A_271, %ne3A_266 : i1
        %add3A_273 = arith.addi %rem3A_264, %select_n3A_263 : i32
        %select_n3A_274 = arith.select %and3A_272, %add3A_273, %rem3A_264 : i32
        %dma_wait3A_275 = arith.constant 0 : i32
        %dma_wait3A_276 = arith.constant 0 : i32
        %dma_wait3A_277 = tpu.memref_slice %arg11[%sub3A_256, %dma_wait3A_275, %dma_wait3A_276] : memref<2x128x128xf32, #tpu.memory_space<vmem>> -> memref<1x128x128xf32, #tpu.memory_space<vmem>>
        %dma_wait3A_278 = tpu.memref_squeeze %dma_wait3A_277 : memref<1x128x128xf32, #tpu.memory_space<vmem>> -> memref<128x128xf32, #tpu.memory_space<vmem>>
        %dma_wait3A_279 = arith.constant 0 : i32
        %dma_wait3A_280 = tpu.memref_slice %arg10[%select_n3A_254, %select_n3A_274, %dma_wait3A_279] : memref<2x8x128xi32, #tpu.memory_space<vmem>> -> memref<1x1x128xi32, #tpu.memory_space<vmem>>
        %dma_wait3A_281 = tpu.memref_squeeze %dma_wait3A_280 : memref<1x1x128xi32, #tpu.memory_space<vmem>> -> memref<128xi32, #tpu.memory_space<vmem>>
        %dma_wait3A_282 = arith.constant 0 : i32
        %dma_wait3A_283 = arith.constant 0 : i32
        %dma_wait3A_284 = tpu.memref_slice %arg8[%dma_wait3A_282, %dma_wait3A_283] : memref<10112x128xf32, #tpu.memory_space<vmem_shared>> -> memref<10112x128xf32, #tpu.memory_space<vmem_shared>>
        tpu.wait_indirect_dma semaphore(%arg14 : memref<!tpu.dma_semaphore, #tpu.memory_space<semaphore_mem>>) src(%dma_wait3A_278 : memref<128x128xf32, #tpu.memory_space<vmem>>) dst(%dma_wait3A_284 : memref<10112x128xf32, #tpu.memory_space<vmem_shared>>)
      } else {
      }
      %lt3A_147 = arith.constant 80 : i32
      %lt3A_148 = arith.cmpi slt, %add3A_124, %lt3A_147 : i32
      %convert_element_type3A_149 = arith.extui %lt3A_148 : i1 to i32
      %cond3A_150 = arith.constant 0 : i32
      %cond3A_151 = arith.cmpi ne, %convert_element_type3A_149, %cond3A_150 : i32
      scf.if %cond3A_151 {
        %jit3A_213 = arith.constant 8 : i32
        %div3A_214 = arith.divsi %add3A_124, %jit3A_213 : i32
        %sign3A_215 = arith.constant 0 : i32
        %sign3A_216 = arith.cmpi sgt, %add3A_124, %sign3A_215 : i32
        %sign3A_217 = arith.extui %sign3A_216 : i1 to i32
        %sign3A_218 = arith.constant 0 : i32
        %sign3A_219 = arith.cmpi slt, %add3A_124, %sign3A_218 : i32
        %sign3A_220 = arith.extui %sign3A_219 : i1 to i32
        %sign3A_221 = arith.subi %sign3A_217, %sign3A_220 : i32
        %sign3A_222 = arith.constant 0 : i32
        %sign3A_223 = arith.cmpi sgt, %jit3A_213, %sign3A_222 : i32
        %sign3A_224 = arith.extui %sign3A_223 : i1 to i32
        %sign3A_225 = arith.constant 0 : i32
        %sign3A_226 = arith.cmpi slt, %jit3A_213, %sign3A_225 : i32
        %sign3A_227 = arith.extui %sign3A_226 : i1 to i32
        %sign3A_228 = arith.subi %sign3A_224, %sign3A_227 : i32
        %ne3A_229 = arith.cmpi ne, %sign3A_221, %sign3A_228 : i32
        %rem3A_230 = arith.remsi %add3A_124, %jit3A_213 : i32
        %ne3A_231 = arith.constant 0 : i32
        %ne3A_232 = arith.cmpi ne, %rem3A_230, %ne3A_231 : i32
        %and3A_233 = arith.andi %ne3A_229, %ne3A_232 : i1
        %sub3A_234 = arith.constant 1 : i32
        %sub3A_235 = arith.subi %div3A_214, %sub3A_234 : i32
        %select_n3A_236 = arith.select %and3A_233, %sub3A_235, %div3A_214 : i32
        %jit3A_237 = arith.constant 2 : i32
        %eq3A_238 = arith.constant 0 : i32
        %eq3A_239 = arith.cmpi eq, %jit3A_237, %eq3A_238 : i32
        %jit3A_240 = arith.constant 1 : i32
        %select_n3A_241 = arith.select %eq3A_239, %jit3A_240, %jit3A_237 : i32
        %rem3A_242 = arith.remsi %select_n3A_236, %select_n3A_241 : i32
        %ne3A_243 = arith.constant 0 : i32
        %ne3A_244 = arith.cmpi ne, %rem3A_242, %ne3A_243 : i32
        %lt3A_245 = arith.constant 0 : i32
        %lt3A_246 = arith.cmpi slt, %rem3A_242, %lt3A_245 : i32
        %lt3A_247 = arith.constant 0 : i32
        %lt3A_248 = arith.cmpi slt, %select_n3A_241, %lt3A_247 : i32
        %ne3A_249 = arith.xori %lt3A_246, %lt3A_248 : i1
        %and3A_250 = arith.andi %ne3A_249, %ne3A_244 : i1
        %add3A_251 = arith.addi %rem3A_242, %select_n3A_241 : i32
        %select_n3A_252 = arith.select %and3A_250, %add3A_251, %rem3A_242 : i32
        %jit3A_253 = arith.constant 8 : i32
        %eq3A_254 = arith.constant 0 : i32
        %eq3A_255 = arith.cmpi eq, %jit3A_253, %eq3A_254 : i32
        %jit3A_256 = arith.constant 1 : i32
        %select_n3A_257 = arith.select %eq3A_255, %jit3A_256, %jit3A_253 : i32
        %rem3A_258 = arith.remsi %add3A_124, %select_n3A_257 : i32
        %ne3A_259 = arith.constant 0 : i32
        %ne3A_260 = arith.cmpi ne, %rem3A_258, %ne3A_259 : i32
        %lt3A_261 = arith.constant 0 : i32
        %lt3A_262 = arith.cmpi slt, %rem3A_258, %lt3A_261 : i32
        %lt3A_263 = arith.constant 0 : i32
        %lt3A_264 = arith.cmpi slt, %select_n3A_257, %lt3A_263 : i32
        %ne3A_265 = arith.xori %lt3A_262, %lt3A_264 : i1
        %and3A_266 = arith.andi %ne3A_265, %ne3A_260 : i1
        %add3A_267 = arith.addi %rem3A_258, %select_n3A_257 : i32
        %select_n3A_268 = arith.select %and3A_266, %add3A_267, %rem3A_258 : i32
        %sub3A_269 = arith.constant 1 : i32
        %sub3A_270 = arith.subi %sub3A_269, %select_n3A_69 : i32
        %dma_start3A_271 = arith.constant 0 : i32
        %dma_start3A_272 = arith.constant 0 : i32
        %dma_start3A_273 = tpu.memref_slice %arg11[%sub3A_270, %dma_start3A_271, %dma_start3A_272] : memref<2x128x128xf32, #tpu.memory_space<vmem>> -> memref<1x64x128xf32, #tpu.memory_space<vmem>>
        %dma_start3A_274 = tpu.memref_squeeze %dma_start3A_273 : memref<1x64x128xf32, #tpu.memory_space<vmem>> -> memref<64x128xf32, #tpu.memory_space<vmem>>
        %dma_start3A_275 = arith.constant 0 : i32
        %dma_start3A_276 = tpu.memref_slice %arg9[%select_n3A_252, %select_n3A_268, %dma_start3A_275] : memref<2x8x128xi32, #tpu.memory_space<vmem>> -> memref<1x1x64xi32, #tpu.memory_space<vmem>>
        %dma_start3A_277 = tpu.memref_squeeze %dma_start3A_276 : memref<1x1x64xi32, #tpu.memory_space<vmem>> -> memref<64xi32, #tpu.memory_space<vmem>>
        %dma_start3A_278 = arith.constant 0 : i32
        %dma_start3A_279 = arith.constant 0 : i32
        %dma_start3A_280 = tpu.memref_slice %arg2[%dma_start3A_278, %dma_start3A_279] : memref<10112x128xf32, #tpu.memory_space<hbm>> -> memref<10112x128xf32, #tpu.memory_space<hbm>>
        tpu.enqueue_indirect_dma source(%dma_start3A_280 : memref<10112x128xf32, #tpu.memory_space<hbm>>) target(%dma_start3A_274 : memref<64x128xf32, #tpu.memory_space<vmem>>) offsets(%dma_start3A_277 : memref<64xi32, #tpu.memory_space<vmem>>) semaphore(%arg12 : memref<!tpu.dma_semaphore, #tpu.memory_space<semaphore_mem>>)
        %sub3A_281 = arith.constant 1 : i32
        %sub3A_282 = arith.subi %sub3A_281, %select_n3A_69 : i32
        %dma_start3A_283 = arith.constant 64 : i32
        %dma_start3A_284 = arith.constant 0 : i32
        %dma_start3A_285 = tpu.memref_slice %arg11[%sub3A_282, %dma_start3A_283, %dma_start3A_284] : memref<2x128x128xf32, #tpu.memory_space<vmem>> -> memref<1x64x128xf32, #tpu.memory_space<vmem>>
        %dma_start3A_286 = tpu.memref_squeeze %dma_start3A_285 : memref<1x64x128xf32, #tpu.memory_space<vmem>> -> memref<64x128xf32, #tpu.memory_space<vmem>>
        %dma_start3A_287 = arith.constant 64 : i32
        %dma_start3A_288 = tpu.memref_slice %arg9[%select_n3A_252, %select_n3A_268, %dma_start3A_287] : memref<2x8x128xi32, #tpu.memory_space<vmem>> -> memref<1x1x64xi32, #tpu.memory_space<vmem>>
        %dma_start3A_289 = tpu.memref_squeeze %dma_start3A_288 : memref<1x1x64xi32, #tpu.memory_space<vmem>> -> memref<64xi32, #tpu.memory_space<vmem>>
        %dma_start3A_290 = arith.constant 0 : i32
        %dma_start3A_291 = arith.constant 0 : i32
        %dma_start3A_292 = tpu.memref_slice %arg2[%dma_start3A_290, %dma_start3A_291] : memref<10112x128xf32, #tpu.memory_space<hbm>> -> memref<10112x128xf32, #tpu.memory_space<hbm>>
        tpu.enqueue_indirect_dma source(%dma_start3A_292 : memref<10112x128xf32, #tpu.memory_space<hbm>>) target(%dma_start3A_286 : memref<64x128xf32, #tpu.memory_space<vmem>>) offsets(%dma_start3A_289 : memref<64xi32, #tpu.memory_space<vmem>>) semaphore(%arg12 : memref<!tpu.dma_semaphore, #tpu.memory_space<semaphore_mem>>)
      } else {
      }
      %get3A = arith.index_cast %select_n3A_106 : i32 to index
      %get3A_152 = arith.index_cast %select_n3A_122 : i32 to index
      %get3A_153 = arith.constant 0 : index
      %get3A_154 = tpu.vector_load %arg10[%get3A, %get3A_152, %get3A_153] {strides = array<i32>} : memref<2x8x128xi32, #tpu.memory_space<vmem>>, vector<16xi32>,
      tpu.vector_store_idx %arg15[%get3A_154], %broadcast_in_dim3A_36 {add = true} : memref<10112xf32, #tpu.memory_space<vmem>>[vector<16xi32>], vector<16xf32>,
      %get3A_155 = arith.index_cast %select_n3A_106 : i32 to index
      %get3A_156 = arith.index_cast %select_n3A_122 : i32 to index
      %get3A_157 = arith.constant 16 : index
      %get3A_158 = tpu.vector_load %arg10[%get3A_155, %get3A_156, %get3A_157] {strides = array<i32>} : memref<2x8x128xi32, #tpu.memory_space<vmem>>, vector<16xi32>,
      tpu.vector_store_idx %arg15[%get3A_158], %broadcast_in_dim3A_36 {add = true} : memref<10112xf32, #tpu.memory_space<vmem>>[vector<16xi32>], vector<16xf32>,
      %get3A_159 = arith.index_cast %select_n3A_106 : i32 to index
      %get3A_160 = arith.index_cast %select_n3A_122 : i32 to index
      %get3A_161 = arith.constant 32 : index
      %get3A_162 = tpu.vector_load %arg10[%get3A_159, %get3A_160, %get3A_161] {strides = array<i32>} : memref<2x8x128xi32, #tpu.memory_space<vmem>>, vector<16xi32>,
      tpu.vector_store_idx %arg15[%get3A_162], %broadcast_in_dim3A_36 {add = true} : memref<10112xf32, #tpu.memory_space<vmem>>[vector<16xi32>], vector<16xf32>,
      %get3A_163 = arith.index_cast %select_n3A_106 : i32 to index
      %get3A_164 = arith.index_cast %select_n3A_122 : i32 to index
      %get3A_165 = arith.constant 48 : index
      %get3A_166 = tpu.vector_load %arg10[%get3A_163, %get3A_164, %get3A_165] {strides = array<i32>} : memref<2x8x128xi32, #tpu.memory_space<vmem>>, vector<16xi32>,
      tpu.vector_store_idx %arg15[%get3A_166], %broadcast_in_dim3A_36 {add = true} : memref<10112xf32, #tpu.memory_space<vmem>>[vector<16xi32>], vector<16xf32>,
      %get3A_167 = arith.index_cast %select_n3A_106 : i32 to index
      %get3A_168 = arith.index_cast %select_n3A_122 : i32 to index
      %get3A_169 = arith.constant 64 : index
      %get3A_170 = tpu.vector_load %arg10[%get3A_167, %get3A_168, %get3A_169] {strides = array<i32>} : memref<2x8x128xi32, #tpu.memory_space<vmem>>, vector<16xi32>,
      tpu.vector_store_idx %arg15[%get3A_170], %broadcast_in_dim3A_36 {add = true} : memref<10112xf32, #tpu.memory_space<vmem>>[vector<16xi32>], vector<16xf32>,
      %get3A_171 = arith.index_cast %select_n3A_106 : i32 to index
      %get3A_172 = arith.index_cast %select_n3A_122 : i32 to index
      %get3A_173 = arith.constant 80 : index
      %get3A_174 = tpu.vector_load %arg10[%get3A_171, %get3A_172, %get3A_173] {strides = array<i32>} : memref<2x8x128xi32, #tpu.memory_space<vmem>>, vector<16xi32>,
      tpu.vector_store_idx %arg15[%get3A_174], %broadcast_in_dim3A_36 {add = true} : memref<10112xf32, #tpu.memory_space<vmem>>[vector<16xi32>], vector<16xf32>,
      %get3A_175 = arith.index_cast %select_n3A_106 : i32 to index
      %get3A_176 = arith.index_cast %select_n3A_122 : i32 to index
      %get3A_177 = arith.constant 96 : index
      %get3A_178 = tpu.vector_load %arg10[%get3A_175, %get3A_176, %get3A_177] {strides = array<i32>} : memref<2x8x128xi32, #tpu.memory_space<vmem>>, vector<16xi32>,
      tpu.vector_store_idx %arg15[%get3A_178], %broadcast_in_dim3A_36 {add = true} : memref<10112xf32, #tpu.memory_space<vmem>>[vector<16xi32>], vector<16xf32>,
      %get3A_179 = arith.index_cast %select_n3A_106 : i32 to index
      %get3A_180 = arith.index_cast %select_n3A_122 : i32 to index
      %get3A_181 = arith.constant 112 : index
      %get3A_182 = tpu.vector_load %arg10[%get3A_179, %get3A_180, %get3A_181] {strides = array<i32>} : memref<2x8x128xi32, #tpu.memory_space<vmem>>, vector<16xi32>,
      tpu.vector_store_idx %arg15[%get3A_182], %broadcast_in_dim3A_36 {add = true} : memref<10112xf32, #tpu.memory_space<vmem>>[vector<16xi32>], vector<16xf32>,
      %dma_wait3A_183 = arith.constant 0 : i32
      %dma_wait3A_184 = arith.constant 0 : i32
      %dma_wait3A_185 = tpu.memref_slice %arg11[%select_n3A_69, %dma_wait3A_183, %dma_wait3A_184] : memref<2x128x128xf32, #tpu.memory_space<vmem>> -> memref<1x64x128xf32, #tpu.memory_space<vmem>>
      %dma_wait3A_186 = tpu.memref_squeeze %dma_wait3A_185 : memref<1x64x128xf32, #tpu.memory_space<vmem>> -> memref<64x128xf32, #tpu.memory_space<vmem>>
      %dma_wait3A_187 = arith.constant 0 : i32
      %dma_wait3A_188 = tpu.memref_slice %arg9[%select_n3A_106, %select_n3A_122, %dma_wait3A_187] : memref<2x8x128xi32, #tpu.memory_space<vmem>> -> memref<1x1x64xi32, #tpu.memory_space<vmem>>
      %dma_wait3A_189 = tpu.memref_squeeze %dma_wait3A_188 : memref<1x1x64xi32, #tpu.memory_space<vmem>> -> memref<64xi32, #tpu.memory_space<vmem>>
      %dma_wait3A_190 = arith.constant 0 : i32
      %dma_wait3A_191 = arith.constant 0 : i32
      %dma_wait3A_192 = tpu.memref_slice %arg2[%dma_wait3A_190, %dma_wait3A_191] : memref<10112x128xf32, #tpu.memory_space<hbm>> -> memref<10112x128xf32, #tpu.memory_space<hbm>>
      tpu.wait_indirect_dma semaphore(%arg12 : memref<!tpu.dma_semaphore, #tpu.memory_space<semaphore_mem>>) src(%dma_wait3A_192 : memref<10112x128xf32, #tpu.memory_space<hbm>>) dst(%dma_wait3A_186 : memref<64x128xf32, #tpu.memory_space<vmem>>)
      %dma_wait3A_193 = arith.constant 64 : i32
      %dma_wait3A_194 = arith.constant 0 : i32
      %dma_wait3A_195 = tpu.memref_slice %arg11[%select_n3A_69, %dma_wait3A_193, %dma_wait3A_194] : memref<2x128x128xf32, #tpu.memory_space<vmem>> -> memref<1x64x128xf32, #tpu.memory_space<vmem>>
      %dma_wait3A_196 = tpu.memref_squeeze %dma_wait3A_195 : memref<1x64x128xf32, #tpu.memory_space<vmem>> -> memref<64x128xf32, #tpu.memory_space<vmem>>
      %dma_wait3A_197 = arith.constant 64 : i32
      %dma_wait3A_198 = tpu.memref_slice %arg9[%select_n3A_106, %select_n3A_122, %dma_wait3A_197] : memref<2x8x128xi32, #tpu.memory_space<vmem>> -> memref<1x1x64xi32, #tpu.memory_space<vmem>>
      %dma_wait3A_199 = tpu.memref_squeeze %dma_wait3A_198 : memref<1x1x64xi32, #tpu.memory_space<vmem>> -> memref<64xi32, #tpu.memory_space<vmem>>
      %dma_wait3A_200 = arith.constant 0 : i32
      %dma_wait3A_201 = arith.constant 0 : i32
      %dma_wait3A_202 = tpu.memref_slice %arg2[%dma_wait3A_200, %dma_wait3A_201] : memref<10112x128xf32, #tpu.memory_space<hbm>> -> memref<10112x128xf32, #tpu.memory_space<hbm>>
      tpu.wait_indirect_dma semaphore(%arg12 : memref<!tpu.dma_semaphore, #tpu.memory_space<semaphore_mem>>) src(%dma_wait3A_202 : memref<10112x128xf32, #tpu.memory_space<hbm>>) dst(%dma_wait3A_196 : memref<64x128xf32, #tpu.memory_space<vmem>>)
      %dma_start3A_203 = arith.constant 0 : i32
      %dma_start3A_204 = arith.constant 0 : i32
      %dma_start3A_205 = tpu.memref_slice %arg11[%select_n3A_69, %dma_start3A_203, %dma_start3A_204] : memref<2x128x128xf32, #tpu.memory_space<vmem>> -> memref<1x128x128xf32, #tpu.memory_space<vmem>>
      %dma_start3A_206 = tpu.memref_squeeze %dma_start3A_205 : memref<1x128x128xf32, #tpu.memory_space<vmem>> -> memref<128x128xf32, #tpu.memory_space<vmem>>
      %dma_start3A_207 = arith.constant 0 : i32
      %dma_start3A_208 = tpu.memref_slice %arg10[%select_n3A_106, %select_n3A_122, %dma_start3A_207] : memref<2x8x128xi32, #tpu.memory_space<vmem>> -> memref<1x1x128xi32, #tpu.memory_space<vmem>>
      %dma_start3A_209 = tpu.memref_squeeze %dma_start3A_208 : memref<1x1x128xi32, #tpu.memory_space<vmem>> -> memref<128xi32, #tpu.memory_space<vmem>>
      %dma_start3A_210 = arith.constant 0 : i32
      %dma_start3A_211 = arith.constant 0 : i32
      %dma_start3A_212 = tpu.memref_slice %arg8[%dma_start3A_210, %dma_start3A_211] : memref<10112x128xf32, #tpu.memory_space<vmem_shared>> -> memref<10112x128xf32, #tpu.memory_space<vmem_shared>>
      tpu.enqueue_indirect_dma source(%dma_start3A_206 : memref<128x128xf32, #tpu.memory_space<vmem>>) target(%dma_start3A_212 : memref<10112x128xf32, #tpu.memory_space<vmem_shared>>) offsets(%dma_start3A_209 : memref<128xi32, #tpu.memory_space<vmem>>) semaphore(%arg14 : memref<!tpu.dma_semaphore, #tpu.memory_space<semaphore_mem>>) {add = true}
    }
    %scan3A_42 = arith.constant 80 : i32
    %dma_wait3A = arith.constant 1 : i32
    %dma_wait3A_43 = arith.constant 1 : i32
    %dma_wait3A_44 = arith.constant 7 : i32
    %dma_wait3A_45 = arith.constant 0 : i32
    %dma_wait3A_46 = arith.constant 0 : i32
    %dma_wait3A_47 = tpu.memref_slice %arg11[%dma_wait3A, %dma_wait3A_45, %dma_wait3A_46] : memref<2x128x128xf32, #tpu.memory_space<vmem>> -> memref<1x128x128xf32, #tpu.memory_space<vmem>>
    %dma_wait3A_48 = tpu.memref_squeeze %dma_wait3A_47 : memref<1x128x128xf32, #tpu.memory_space<vmem>> -> memref<128x128xf32, #tpu.memory_space<vmem>>
    %dma_wait3A_49 = arith.constant 0 : i32
    %dma_wait3A_50 = tpu.memref_slice %arg10[%dma_wait3A_43, %dma_wait3A_44, %dma_wait3A_49] : memref<2x8x128xi32, #tpu.memory_space<vmem>> -> memref<1x1x128xi32, #tpu.memory_space<vmem>>
    %dma_wait3A_51 = tpu.memref_squeeze %dma_wait3A_50 : memref<1x1x128xi32, #tpu.memory_space<vmem>> -> memref<128xi32, #tpu.memory_space<vmem>>
    %dma_wait3A_52 = arith.constant 0 : i32
    %dma_wait3A_53 = arith.constant 0 : i32
    %dma_wait3A_54 = tpu.memref_slice %arg8[%dma_wait3A_52, %dma_wait3A_53] : memref<10112x128xf32, #tpu.memory_space<vmem_shared>> -> memref<10112x128xf32, #tpu.memory_space<vmem_shared>>
    tpu.wait_indirect_dma semaphore(%arg14 : memref<!tpu.dma_semaphore, #tpu.memory_space<semaphore_mem>>) src(%dma_wait3A_48 : memref<128x128xf32, #tpu.memory_space<vmem>>) dst(%dma_wait3A_54 : memref<10112x128xf32, #tpu.memory_space<vmem_shared>>)
    %barrier3A_55 = arith.constant 0 : index
    tpu.barrier barrier_id(%barrier3A_55)
    %mul3A_56 = arith.constant 632 : i32
    %mul3A_57 = arith.muli %arg1, %mul3A_56 : i32
    %mul3A_58 = arith.constant 632 : i32
    %mul3A_59 = arith.muli %arg1, %mul3A_58 : i32
    "tpu.region"() ({
      %run_scoped3A_60 = tpu.sem_alloc : memref<!tpu.dma_semaphore, #tpu.memory_space<semaphore_mem>>
      %dma_start3A_61 = arith.constant 0 : i32
      %dma_start3A_62 = tpu.memref_slice %arg6[%arg0, %mul3A_59, %dma_start3A_61] : memref<2x10112x128xf32, #tpu.memory_space<hbm>> -> memref<1x632x128xf32, #tpu.memory_space<hbm>>
      %dma_start3A_63 = tpu.memref_squeeze %dma_start3A_62 : memref<1x632x128xf32, #tpu.memory_space<hbm>> -> memref<632x128xf32, #tpu.memory_space<hbm>>
      %dma_start3A_64 = arith.constant 0 : i32
      %dma_start3A_65 = tpu.memref_slice %arg8[%mul3A_57, %dma_start3A_64] : memref<10112x128xf32, #tpu.memory_space<vmem_shared>> -> memref<632x128xf32, #tpu.memory_space<vmem_shared>>
      tpu.enqueue_dma source(%dma_start3A_65 : memref<632x128xf32, #tpu.memory_space<vmem_shared>>) target(%dma_start3A_63 : memref<632x128xf32, #tpu.memory_space<hbm>>) target_semaphore(%run_scoped3A_60 : memref<!tpu.dma_semaphore, #tpu.memory_space<semaphore_mem>>)
      %dma_wait3A_66 = arith.constant 0 : i32
      %dma_wait3A_67 = tpu.memref_slice %arg6[%arg0, %mul3A_59, %dma_wait3A_66] : memref<2x10112x128xf32, #tpu.memory_space<hbm>> -> memref<1x632x128xf32, #tpu.memory_space<hbm>>
      %dma_wait3A_68 = tpu.memref_squeeze %dma_wait3A_67 : memref<1x632x128xf32, #tpu.memory_space<hbm>> -> memref<632x128xf32, #tpu.memory_space<hbm>>
      %dma_wait3A_69 = arith.constant 0 : i32
      %dma_wait3A_70 = tpu.memref_slice %arg8[%mul3A_57, %dma_wait3A_69] : memref<10112x128xf32, #tpu.memory_space<vmem_shared>> -> memref<632x128xf32, #tpu.memory_space<vmem_shared>>
      tpu.wait_dma2 semaphore(%run_scoped3A_60 : memref<!tpu.dma_semaphore, #tpu.memory_space<semaphore_mem>>) src(%dma_wait3A_70 : memref<632x128xf32, #tpu.memory_space<vmem_shared>>) dst(%dma_wait3A_68 : memref<632x128xf32, #tpu.memory_space<hbm>>)
      tpu.yield
    }) : () -> ()
    "tpu.region"() ({
      %run_scoped3A_60 = tpu.sem_alloc : memref<!tpu.dma_semaphore, #tpu.memory_space<semaphore_mem>>
      %dma_start3A_61 = arith.constant 0 : i32
      %dma_start3A_62 = tpu.memref_slice %arg7[%add3A, %dma_start3A_61] : memref<32x10112xf32, #tpu.memory_space<hbm>> -> memref<1x10112xf32, #tpu.memory_space<hbm>>
      %dma_start3A_63 = tpu.memref_squeeze %dma_start3A_62 : memref<1x10112xf32, #tpu.memory_space<hbm>> -> memref<10112xf32, #tpu.memory_space<hbm>>
      %dma_start3A_64 = arith.constant 0 : i32
      %dma_start3A_65 = tpu.memref_slice %arg7[%add3A, %dma_start3A_64] : memref<32x10112xf32, #tpu.memory_space<hbm>> -> memref<1x10112xf32, #tpu.memory_space<hbm>>
      %dma_start3A_66 = tpu.memref_squeeze %dma_start3A_65 : memref<1x10112xf32, #tpu.memory_space<hbm>> -> memref<10112xf32, #tpu.memory_space<hbm>>
      tpu.enqueue_dma source(%arg15 : memref<10112xf32, #tpu.memory_space<vmem>>) target(%dma_start3A_66 : memref<10112xf32, #tpu.memory_space<hbm>>) target_semaphore(%run_scoped3A_60 : memref<!tpu.dma_semaphore, #tpu.memory_space<semaphore_mem>>)
      %dma_wait3A_67 = arith.constant 0 : i32
      %dma_wait3A_68 = tpu.memref_slice %arg7[%add3A, %dma_wait3A_67] : memref<32x10112xf32, #tpu.memory_space<hbm>> -> memref<1x10112xf32, #tpu.memory_space<hbm>>
      %dma_wait3A_69 = tpu.memref_squeeze %dma_wait3A_68 : memref<1x10112xf32, #tpu.memory_space<hbm>> -> memref<10112xf32, #tpu.memory_space<hbm>>
      %dma_wait3A_70 = arith.constant 0 : i32
      %dma_wait3A_71 = tpu.memref_slice %arg7[%add3A, %dma_wait3A_70] : memref<32x10112xf32, #tpu.memory_space<hbm>> -> memref<1x10112xf32, #tpu.memory_space<hbm>>
      %dma_wait3A_72 = tpu.memref_squeeze %dma_wait3A_71 : memref<1x10112xf32, #tpu.memory_space<hbm>> -> memref<10112xf32, #tpu.memory_space<hbm>>
      tpu.wait_dma2 semaphore(%run_scoped3A_60 : memref<!tpu.dma_semaphore, #tpu.memory_space<semaphore_mem>>) src(%arg15 : memref<10112xf32, #tpu.memory_space<vmem>>) dst(%dma_wait3A_72 : memref<10112xf32, #tpu.memory_space<hbm>>)
      tpu.yield
    }) : () -> ()
    return
  }
}

#map = affine_map<(d0, d1) -> (0, 0)>
#map1 = affine_map<(d0, d1) -> (0, 0, 0)>
module attributes {stable_mosaic.version = 14 : i64} {
  func.func @body(%arg0: i32, %arg1: i32, %arg2: memref<10112x128xf32, #tpu.memory_space<hbm>>, %arg3: memref<32x80x128xi32, #tpu.memory_space<hbm>>, %arg4: memref<32x80x128xi32, #tpu.memory_space<hbm>>, %arg5: memref<10112x128xf32, #tpu.memory_space<hbm>>, %arg6: memref<2x10112x128xf32, #tpu.memory_space<hbm>>, %arg7: memref<10112x128xf32, #tpu.memory_space<vmem_shared>>, %arg8: memref<2x8x128xi32, #tpu.memory_space<vmem>>, %arg9: memref<2x8x128xi32, #tpu.memory_space<vmem>>, %arg10: memref<2x128x128xf32, #tpu.memory_space<vmem>>, %arg11: memref<!tpu.dma_semaphore, #tpu.memory_space<semaphore_mem>>, %arg12: memref<!tpu.dma_semaphore, #tpu.memory_space<semaphore_mem>>, %arg13: memref<!tpu.dma_semaphore, #tpu.memory_space<semaphore_mem>>) attributes {dimension_semantics = [#tpu.dimension_semantics<core_parallel>, #tpu.dimension_semantics<subcore_parallel>], iteration_bounds = array<i64: 2, 16>, scalar_prefetch = 0 : i64, scratch_operands = 7 : i64, tpu.core_type = #tpu.core_type<sc_vector_subcore>, window_params = [{transform_indices = #map}, {transform_indices = #map1}, {transform_indices = #map1}, {transform_indices = #map}, {transform_indices = #map1}]} {
    %mul3A = arith.constant 16 : i32
    %mul3A_0 = arith.muli %arg0, %mul3A : i32
    %add3A = arith.addi %mul3A_0, %arg1 : i32
    %mul3A_1 = arith.constant 632 : i32
    %mul3A_2 = arith.muli %arg1, %mul3A_1 : i32
    %mul3A_3 = arith.constant 632 : i32
    %mul3A_4 = arith.muli %arg1, %mul3A_3 : i32
    "tpu.region"() ({
      %run_scoped3A_54 = tpu.sem_alloc : memref<!tpu.dma_semaphore, #tpu.memory_space<semaphore_mem>>
      %dma_start3A_55 = arith.constant 0 : i32
      %dma_start3A_56 = tpu.memref_slice %arg7[%mul3A_4, %dma_start3A_55] : memref<10112x128xf32, #tpu.memory_space<vmem_shared>> -> memref<632x128xf32, #tpu.memory_space<vmem_shared>>
      %dma_start3A_57 = arith.constant 0 : i32
      %dma_start3A_58 = tpu.memref_slice %arg5[%mul3A_2, %dma_start3A_57] : memref<10112x128xf32, #tpu.memory_space<hbm>> -> memref<632x128xf32, #tpu.memory_space<hbm>>
      tpu.enqueue_dma source(%dma_start3A_58 : memref<632x128xf32, #tpu.memory_space<hbm>>) target(%dma_start3A_56 : memref<632x128xf32, #tpu.memory_space<vmem_shared>>) target_semaphore(%run_scoped3A_54 : memref<!tpu.dma_semaphore, #tpu.memory_space<semaphore_mem>>)
      %dma_wait3A_59 = arith.constant 0 : i32
      %dma_wait3A_60 = tpu.memref_slice %arg7[%mul3A_4, %dma_wait3A_59] : memref<10112x128xf32, #tpu.memory_space<vmem_shared>> -> memref<632x128xf32, #tpu.memory_space<vmem_shared>>
      %dma_wait3A_61 = arith.constant 0 : i32
      %dma_wait3A_62 = tpu.memref_slice %arg5[%mul3A_2, %dma_wait3A_61] : memref<10112x128xf32, #tpu.memory_space<hbm>> -> memref<632x128xf32, #tpu.memory_space<hbm>>
      tpu.wait_dma2 semaphore(%run_scoped3A_54 : memref<!tpu.dma_semaphore, #tpu.memory_space<semaphore_mem>>) src(%dma_wait3A_62 : memref<632x128xf32, #tpu.memory_space<hbm>>) dst(%dma_wait3A_60 : memref<632x128xf32, #tpu.memory_space<vmem_shared>>)
      tpu.yield
    }) : () -> ()
    %run_scoped3A = arith.constant 0 : i32
    "tpu.region"() ({
      %run_scoped3A_54 = tpu.sem_alloc : memref<!tpu.dma_semaphore, #tpu.memory_space<semaphore_mem>>
      %dma_start3A_55 = arith.constant 0 : i32
      %dma_start3A_56 = arith.constant 0 : i32
      %dma_start3A_57 = tpu.memref_slice %arg8[%run_scoped3A, %dma_start3A_55, %dma_start3A_56] : memref<2x8x128xi32, #tpu.memory_space<vmem>> -> memref<1x8x128xi32, #tpu.memory_space<vmem>>
      %dma_start3A_58 = tpu.memref_squeeze %dma_start3A_57 : memref<1x8x128xi32, #tpu.memory_space<vmem>> -> memref<8x128xi32, #tpu.memory_space<vmem>>
      %dma_start3A_59 = arith.constant 0 : i32
      %dma_start3A_60 = arith.constant 0 : i32
      %dma_start3A_61 = tpu.memref_slice %arg3[%add3A, %dma_start3A_59, %dma_start3A_60] : memref<32x80x128xi32, #tpu.memory_space<hbm>> -> memref<1x8x128xi32, #tpu.memory_space<hbm>>
      %dma_start3A_62 = tpu.memref_squeeze %dma_start3A_61 : memref<1x8x128xi32, #tpu.memory_space<hbm>> -> memref<8x128xi32, #tpu.memory_space<hbm>>
      %dma_start3A_63 = arith.constant 0 : i32
      %dma_start3A_64 = arith.constant 0 : i32
      %dma_start3A_65 = tpu.memref_slice %arg8[%run_scoped3A, %dma_start3A_63, %dma_start3A_64] : memref<2x8x128xi32, #tpu.memory_space<vmem>> -> memref<1x8x128xi32, #tpu.memory_space<vmem>>
      %dma_start3A_66 = tpu.memref_squeeze %dma_start3A_65 : memref<1x8x128xi32, #tpu.memory_space<vmem>> -> memref<8x128xi32, #tpu.memory_space<vmem>>
      %dma_start3A_67 = arith.constant 0 : i32
      %dma_start3A_68 = arith.constant 0 : i32
      %dma_start3A_69 = tpu.memref_slice %arg3[%add3A, %dma_start3A_67, %dma_start3A_68] : memref<32x80x128xi32, #tpu.memory_space<hbm>> -> memref<1x8x128xi32, #tpu.memory_space<hbm>>
      %dma_start3A_70 = tpu.memref_squeeze %dma_start3A_69 : memref<1x8x128xi32, #tpu.memory_space<hbm>> -> memref<8x128xi32, #tpu.memory_space<hbm>>
      tpu.enqueue_dma source(%dma_start3A_70 : memref<8x128xi32, #tpu.memory_space<hbm>>) target(%dma_start3A_66 : memref<8x128xi32, #tpu.memory_space<vmem>>) target_semaphore(%run_scoped3A_54 : memref<!tpu.dma_semaphore, #tpu.memory_space<semaphore_mem>>)
      %dma_wait3A_71 = arith.constant 0 : i32
      %dma_wait3A_72 = arith.constant 0 : i32
      %dma_wait3A_73 = tpu.memref_slice %arg8[%run_scoped3A, %dma_wait3A_71, %dma_wait3A_72] : memref<2x8x128xi32, #tpu.memory_space<vmem>> -> memref<1x8x128xi32, #tpu.memory_space<vmem>>
      %dma_wait3A_74 = tpu.memref_squeeze %dma_wait3A_73 : memref<1x8x128xi32, #tpu.memory_space<vmem>> -> memref<8x128xi32, #tpu.memory_space<vmem>>
      %dma_wait3A_75 = arith.constant 0 : i32
      %dma_wait3A_76 = arith.constant 0 : i32
      %dma_wait3A_77 = tpu.memref_slice %arg3[%add3A, %dma_wait3A_75, %dma_wait3A_76] : memref<32x80x128xi32, #tpu.memory_space<hbm>> -> memref<1x8x128xi32, #tpu.memory_space<hbm>>
      %dma_wait3A_78 = tpu.memref_squeeze %dma_wait3A_77 : memref<1x8x128xi32, #tpu.memory_space<hbm>> -> memref<8x128xi32, #tpu.memory_space<hbm>>
      %dma_wait3A_79 = arith.constant 0 : i32
      %dma_wait3A_80 = arith.constant 0 : i32
      %dma_wait3A_81 = tpu.memref_slice %arg8[%run_scoped3A, %dma_wait3A_79, %dma_wait3A_80] : memref<2x8x128xi32, #tpu.memory_space<vmem>> -> memref<1x8x128xi32, #tpu.memory_space<vmem>>
      %dma_wait3A_82 = tpu.memref_squeeze %dma_wait3A_81 : memref<1x8x128xi32, #tpu.memory_space<vmem>> -> memref<8x128xi32, #tpu.memory_space<vmem>>
      %dma_wait3A_83 = arith.constant 0 : i32
      %dma_wait3A_84 = arith.constant 0 : i32
      %dma_wait3A_85 = tpu.memref_slice %arg3[%add3A, %dma_wait3A_83, %dma_wait3A_84] : memref<32x80x128xi32, #tpu.memory_space<hbm>> -> memref<1x8x128xi32, #tpu.memory_space<hbm>>
      %dma_wait3A_86 = tpu.memref_squeeze %dma_wait3A_85 : memref<1x8x128xi32, #tpu.memory_space<hbm>> -> memref<8x128xi32, #tpu.memory_space<hbm>>
      tpu.wait_dma2 semaphore(%run_scoped3A_54 : memref<!tpu.dma_semaphore, #tpu.memory_space<semaphore_mem>>) src(%dma_wait3A_86 : memref<8x128xi32, #tpu.memory_space<hbm>>) dst(%dma_wait3A_82 : memref<8x128xi32, #tpu.memory_space<vmem>>)
      tpu.yield
    }) : () -> ()
    %run_scoped3A_5 = arith.constant 0 : i32
    "tpu.region"() ({
      %run_scoped3A_54 = tpu.sem_alloc : memref<!tpu.dma_semaphore, #tpu.memory_space<semaphore_mem>>
      %dma_start3A_55 = arith.constant 0 : i32
      %dma_start3A_56 = arith.constant 0 : i32
      %dma_start3A_57 = tpu.memref_slice %arg9[%run_scoped3A_5, %dma_start3A_55, %dma_start3A_56] : memref<2x8x128xi32, #tpu.memory_space<vmem>> -> memref<1x8x128xi32, #tpu.memory_space<vmem>>
      %dma_start3A_58 = tpu.memref_squeeze %dma_start3A_57 : memref<1x8x128xi32, #tpu.memory_space<vmem>> -> memref<8x128xi32, #tpu.memory_space<vmem>>
      %dma_start3A_59 = arith.constant 0 : i32
      %dma_start3A_60 = arith.constant 0 : i32
      %dma_start3A_61 = tpu.memref_slice %arg4[%add3A, %dma_start3A_59, %dma_start3A_60] : memref<32x80x128xi32, #tpu.memory_space<hbm>> -> memref<1x8x128xi32, #tpu.memory_space<hbm>>
      %dma_start3A_62 = tpu.memref_squeeze %dma_start3A_61 : memref<1x8x128xi32, #tpu.memory_space<hbm>> -> memref<8x128xi32, #tpu.memory_space<hbm>>
      %dma_start3A_63 = arith.constant 0 : i32
      %dma_start3A_64 = arith.constant 0 : i32
      %dma_start3A_65 = tpu.memref_slice %arg9[%run_scoped3A_5, %dma_start3A_63, %dma_start3A_64] : memref<2x8x128xi32, #tpu.memory_space<vmem>> -> memref<1x8x128xi32, #tpu.memory_space<vmem>>
      %dma_start3A_66 = tpu.memref_squeeze %dma_start3A_65 : memref<1x8x128xi32, #tpu.memory_space<vmem>> -> memref<8x128xi32, #tpu.memory_space<vmem>>
      %dma_start3A_67 = arith.constant 0 : i32
      %dma_start3A_68 = arith.constant 0 : i32
      %dma_start3A_69 = tpu.memref_slice %arg4[%add3A, %dma_start3A_67, %dma_start3A_68] : memref<32x80x128xi32, #tpu.memory_space<hbm>> -> memref<1x8x128xi32, #tpu.memory_space<hbm>>
      %dma_start3A_70 = tpu.memref_squeeze %dma_start3A_69 : memref<1x8x128xi32, #tpu.memory_space<hbm>> -> memref<8x128xi32, #tpu.memory_space<hbm>>
      tpu.enqueue_dma source(%dma_start3A_70 : memref<8x128xi32, #tpu.memory_space<hbm>>) target(%dma_start3A_66 : memref<8x128xi32, #tpu.memory_space<vmem>>) target_semaphore(%run_scoped3A_54 : memref<!tpu.dma_semaphore, #tpu.memory_space<semaphore_mem>>)
      %dma_wait3A_71 = arith.constant 0 : i32
      %dma_wait3A_72 = arith.constant 0 : i32
      %dma_wait3A_73 = tpu.memref_slice %arg9[%run_scoped3A_5, %dma_wait3A_71, %dma_wait3A_72] : memref<2x8x128xi32, #tpu.memory_space<vmem>> -> memref<1x8x128xi32, #tpu.memory_space<vmem>>
      %dma_wait3A_74 = tpu.memref_squeeze %dma_wait3A_73 : memref<1x8x128xi32, #tpu.memory_space<vmem>> -> memref<8x128xi32, #tpu.memory_space<vmem>>
      %dma_wait3A_75 = arith.constant 0 : i32
      %dma_wait3A_76 = arith.constant 0 : i32
      %dma_wait3A_77 = tpu.memref_slice %arg4[%add3A, %dma_wait3A_75, %dma_wait3A_76] : memref<32x80x128xi32, #tpu.memory_space<hbm>> -> memref<1x8x128xi32, #tpu.memory_space<hbm>>
      %dma_wait3A_78 = tpu.memref_squeeze %dma_wait3A_77 : memref<1x8x128xi32, #tpu.memory_space<hbm>> -> memref<8x128xi32, #tpu.memory_space<hbm>>
      %dma_wait3A_79 = arith.constant 0 : i32
      %dma_wait3A_80 = arith.constant 0 : i32
      %dma_wait3A_81 = tpu.memref_slice %arg9[%run_scoped3A_5, %dma_wait3A_79, %dma_wait3A_80] : memref<2x8x128xi32, #tpu.memory_space<vmem>> -> memref<1x8x128xi32, #tpu.memory_space<vmem>>
      %dma_wait3A_82 = tpu.memref_squeeze %dma_wait3A_81 : memref<1x8x128xi32, #tpu.memory_space<vmem>> -> memref<8x128xi32, #tpu.memory_space<vmem>>
      %dma_wait3A_83 = arith.constant 0 : i32
      %dma_wait3A_84 = arith.constant 0 : i32
      %dma_wait3A_85 = tpu.memref_slice %arg4[%add3A, %dma_wait3A_83, %dma_wait3A_84] : memref<32x80x128xi32, #tpu.memory_space<hbm>> -> memref<1x8x128xi32, #tpu.memory_space<hbm>>
      %dma_wait3A_86 = tpu.memref_squeeze %dma_wait3A_85 : memref<1x8x128xi32, #tpu.memory_space<hbm>> -> memref<8x128xi32, #tpu.memory_space<hbm>>
      tpu.wait_dma2 semaphore(%run_scoped3A_54 : memref<!tpu.dma_semaphore, #tpu.memory_space<semaphore_mem>>) src(%dma_wait3A_86 : memref<8x128xi32, #tpu.memory_space<hbm>>) dst(%dma_wait3A_82 : memref<8x128xi32, #tpu.memory_space<vmem>>)
      tpu.yield
    }) : () -> ()
    %dma_start3A = arith.constant 0 : i32
    %dma_start3A_6 = arith.constant 0 : i32
    %dma_start3A_7 = arith.constant 0 : i32
    %dma_start3A_8 = arith.constant 0 : i32
    %dma_start3A_9 = arith.constant 0 : i32
    %dma_start3A_10 = tpu.memref_slice %arg10[%dma_start3A_7, %dma_start3A_8, %dma_start3A_9] : memref<2x128x128xf32, #tpu.memory_space<vmem>> -> memref<1x64x128xf32, #tpu.memory_space<vmem>>
    %dma_start3A_11 = tpu.memref_squeeze %dma_start3A_10 : memref<1x64x128xf32, #tpu.memory_space<vmem>> -> memref<64x128xf32, #tpu.memory_space<vmem>>
    %dma_start3A_12 = arith.constant 0 : i32
    %dma_start3A_13 = tpu.memref_slice %arg8[%dma_start3A, %dma_start3A_6, %dma_start3A_12] : memref<2x8x128xi32, #tpu.memory_space<vmem>> -> memref<1x1x64xi32, #tpu.memory_space<vmem>>
    %dma_start3A_14 = tpu.memref_squeeze %dma_start3A_13 : memref<1x1x64xi32, #tpu.memory_space<vmem>> -> memref<64xi32, #tpu.memory_space<vmem>>
    %dma_start3A_15 = arith.constant 0 : i32
    %dma_start3A_16 = arith.constant 0 : i32
    %dma_start3A_17 = tpu.memref_slice %arg2[%dma_start3A_15, %dma_start3A_16] : memref<10112x128xf32, #tpu.memory_space<hbm>> -> memref<10112x128xf32, #tpu.memory_space<hbm>>
    tpu.enqueue_indirect_dma source(%dma_start3A_17 : memref<10112x128xf32, #tpu.memory_space<hbm>>) target(%dma_start3A_11 : memref<64x128xf32, #tpu.memory_space<vmem>>) offsets(%dma_start3A_14 : memref<64xi32, #tpu.memory_space<vmem>>) semaphore(%arg11 : memref<!tpu.dma_semaphore, #tpu.memory_space<semaphore_mem>>)
    %dma_start3A_18 = arith.constant 0 : i32
    %dma_start3A_19 = arith.constant 0 : i32
    %dma_start3A_20 = arith.constant 0 : i32
    %dma_start3A_21 = arith.constant 64 : i32
    %dma_start3A_22 = arith.constant 0 : i32
    %dma_start3A_23 = tpu.memref_slice %arg10[%dma_start3A_20, %dma_start3A_21, %dma_start3A_22] : memref<2x128x128xf32, #tpu.memory_space<vmem>> -> memref<1x64x128xf32, #tpu.memory_space<vmem>>
    %dma_start3A_24 = tpu.memref_squeeze %dma_start3A_23 : memref<1x64x128xf32, #tpu.memory_space<vmem>> -> memref<64x128xf32, #tpu.memory_space<vmem>>
    %dma_start3A_25 = arith.constant 64 : i32
    %dma_start3A_26 = tpu.memref_slice %arg8[%dma_start3A_18, %dma_start3A_19, %dma_start3A_25] : memref<2x8x128xi32, #tpu.memory_space<vmem>> -> memref<1x1x64xi32, #tpu.memory_space<vmem>>
    %dma_start3A_27 = tpu.memref_squeeze %dma_start3A_26 : memref<1x1x64xi32, #tpu.memory_space<vmem>> -> memref<64xi32, #tpu.memory_space<vmem>>
    %dma_start3A_28 = arith.constant 0 : i32
    %dma_start3A_29 = arith.constant 0 : i32
    %dma_start3A_30 = tpu.memref_slice %arg2[%dma_start3A_28, %dma_start3A_29] : memref<10112x128xf32, #tpu.memory_space<hbm>> -> memref<10112x128xf32, #tpu.memory_space<hbm>>
    tpu.enqueue_indirect_dma source(%dma_start3A_30 : memref<10112x128xf32, #tpu.memory_space<hbm>>) target(%dma_start3A_24 : memref<64x128xf32, #tpu.memory_space<vmem>>) offsets(%dma_start3A_27 : memref<64xi32, #tpu.memory_space<vmem>>) semaphore(%arg11 : memref<!tpu.dma_semaphore, #tpu.memory_space<semaphore_mem>>)
    %barrier3A = arith.constant 0 : index
    tpu.barrier barrier_id(%barrier3A)
    %broadcast_in_dim3A = arith.constant 1.000000e+00 : f32
    %broadcast_in_dim3A_31 = vector.broadcast %broadcast_in_dim3A : f32 to vector<16xf32>
    %scan3A = arith.constant 0 : i32
    %scan3A_32 = arith.constant 0 : i32
    %scan3A_33 = arith.constant 80 : i32
    %scan3A_34 = arith.addi %scan3A_32, %scan3A_33 : i32
    %scan3A_35 = arith.constant 1 : i32
    scf.for %scan3A_54 = %scan3A_32 to %scan3A_34 step %scan3A_35  : i32 {
      %jit3A = arith.constant 2 : i32
      %eq3A = arith.constant 0 : i32
      %eq3A_55 = arith.cmpi eq, %jit3A, %eq3A : i32
      %jit3A_56 = arith.constant 1 : i32
      %select_n3A = arith.select %eq3A_55, %jit3A_56, %jit3A : i32
      %rem3A = arith.remsi %scan3A_54, %select_n3A : i32
      %ne3A = arith.constant 0 : i32
      %ne3A_57 = arith.cmpi ne, %rem3A, %ne3A : i32
      %lt3A = arith.constant 0 : i32
      %lt3A_58 = arith.cmpi slt, %rem3A, %lt3A : i32
      %lt3A_59 = arith.constant 0 : i32
      %lt3A_60 = arith.cmpi slt, %select_n3A, %lt3A_59 : i32
      %ne3A_61 = arith.xori %lt3A_58, %lt3A_60 : i1
      %and3A = arith.andi %ne3A_61, %ne3A_57 : i1
      %add3A_62 = arith.addi %rem3A, %select_n3A : i32
      %select_n3A_63 = arith.select %and3A, %add3A_62, %rem3A : i32
      %jit3A_64 = arith.constant 8 : i32
      %div3A = arith.divsi %scan3A_54, %jit3A_64 : i32
      %sign3A = arith.constant 0 : i32
      %sign3A_65 = arith.cmpi sgt, %scan3A_54, %sign3A : i32
      %sign3A_66 = arith.extui %sign3A_65 : i1 to i32
      %sign3A_67 = arith.constant 0 : i32
      %sign3A_68 = arith.cmpi slt, %scan3A_54, %sign3A_67 : i32
      %sign3A_69 = arith.extui %sign3A_68 : i1 to i32
      %sign3A_70 = arith.subi %sign3A_66, %sign3A_69 : i32
      %sign3A_71 = arith.constant 0 : i32
      %sign3A_72 = arith.cmpi sgt, %jit3A_64, %sign3A_71 : i32
      %sign3A_73 = arith.extui %sign3A_72 : i1 to i32
      %sign3A_74 = arith.constant 0 : i32
      %sign3A_75 = arith.cmpi slt, %jit3A_64, %sign3A_74 : i32
      %sign3A_76 = arith.extui %sign3A_75 : i1 to i32
      %sign3A_77 = arith.subi %sign3A_73, %sign3A_76 : i32
      %ne3A_78 = arith.cmpi ne, %sign3A_70, %sign3A_77 : i32
      %rem3A_79 = arith.remsi %scan3A_54, %jit3A_64 : i32
      %ne3A_80 = arith.constant 0 : i32
      %ne3A_81 = arith.cmpi ne, %rem3A_79, %ne3A_80 : i32
      %and3A_82 = arith.andi %ne3A_78, %ne3A_81 : i1
      %sub3A = arith.constant 1 : i32
      %sub3A_83 = arith.subi %div3A, %sub3A : i32
      %select_n3A_84 = arith.select %and3A_82, %sub3A_83, %div3A : i32
      %jit3A_85 = arith.constant 2 : i32
      %eq3A_86 = arith.constant 0 : i32
      %eq3A_87 = arith.cmpi eq, %jit3A_85, %eq3A_86 : i32
      %jit3A_88 = arith.constant 1 : i32
      %select_n3A_89 = arith.select %eq3A_87, %jit3A_88, %jit3A_85 : i32
      %rem3A_90 = arith.remsi %select_n3A_84, %select_n3A_89 : i32
      %ne3A_91 = arith.constant 0 : i32
      %ne3A_92 = arith.cmpi ne, %rem3A_90, %ne3A_91 : i32
      %lt3A_93 = arith.constant 0 : i32
      %lt3A_94 = arith.cmpi slt, %rem3A_90, %lt3A_93 : i32
      %lt3A_95 = arith.constant 0 : i32
      %lt3A_96 = arith.cmpi slt, %select_n3A_89, %lt3A_95 : i32
      %ne3A_97 = arith.xori %lt3A_94, %lt3A_96 : i1
      %and3A_98 = arith.andi %ne3A_97, %ne3A_92 : i1
      %add3A_99 = arith.addi %rem3A_90, %select_n3A_89 : i32
      %select_n3A_100 = arith.select %and3A_98, %add3A_99, %rem3A_90 : i32
      %jit3A_101 = arith.constant 8 : i32
      %eq3A_102 = arith.constant 0 : i32
      %eq3A_103 = arith.cmpi eq, %jit3A_101, %eq3A_102 : i32
      %jit3A_104 = arith.constant 1 : i32
      %select_n3A_105 = arith.select %eq3A_103, %jit3A_104, %jit3A_101 : i32
      %rem3A_106 = arith.remsi %scan3A_54, %select_n3A_105 : i32
      %ne3A_107 = arith.constant 0 : i32
      %ne3A_108 = arith.cmpi ne, %rem3A_106, %ne3A_107 : i32
      %lt3A_109 = arith.constant 0 : i32
      %lt3A_110 = arith.cmpi slt, %rem3A_106, %lt3A_109 : i32
      %lt3A_111 = arith.constant 0 : i32
      %lt3A_112 = arith.cmpi slt, %select_n3A_105, %lt3A_111 : i32
      %ne3A_113 = arith.xori %lt3A_110, %lt3A_112 : i1
      %and3A_114 = arith.andi %ne3A_113, %ne3A_108 : i1
      %add3A_115 = arith.addi %rem3A_106, %select_n3A_105 : i32
      %select_n3A_116 = arith.select %and3A_114, %add3A_115, %rem3A_106 : i32
      %add3A_117 = arith.constant 1 : i32
      %add3A_118 = arith.addi %scan3A_54, %add3A_117 : i32
      %eq3A_119 = arith.constant 0 : i32
      %eq3A_120 = arith.cmpi eq, %select_n3A_116, %eq3A_119 : i32
      %add3A_121 = arith.constant 1 : i32
      %add3A_122 = arith.addi %select_n3A_84, %add3A_121 : i32
      %lt3A_123 = arith.constant 10 : i32
      %lt3A_124 = arith.cmpi slt, %add3A_122, %lt3A_123 : i32
      %and3A_125 = arith.andi %eq3A_120, %lt3A_124 : i1
      %convert_element_type3A = arith.extui %and3A_125 : i1 to i32
      %cond3A = arith.constant 0 : i32
      %cond3A_126 = arith.cmpi ne, %convert_element_type3A, %cond3A : i32
      scf.if %cond3A_126 {
        %add3A_176 = arith.constant 1 : i32
        %add3A_177 = arith.addi %select_n3A_84, %add3A_176 : i32
        %mul3A_178 = arith.constant 8 : i32
        %mul3A_179 = arith.muli %add3A_177, %mul3A_178 : i32
        %sub3A_180 = arith.constant 1 : i32
        %sub3A_181 = arith.subi %sub3A_180, %select_n3A_100 : i32
        %dma_start3A_182 = arith.constant 0 : i32
        %dma_start3A_183 = arith.constant 0 : i32
        %dma_start3A_184 = tpu.memref_slice %arg8[%sub3A_181, %dma_start3A_182, %dma_start3A_183] : memref<2x8x128xi32, #tpu.memory_space<vmem>> -> memref<1x8x128xi32, #tpu.memory_space<vmem>>
        %dma_start3A_185 = tpu.memref_squeeze %dma_start3A_184 : memref<1x8x128xi32, #tpu.memory_space<vmem>> -> memref<8x128xi32, #tpu.memory_space<vmem>>
        %dma_start3A_186 = arith.constant 0 : i32
        %dma_start3A_187 = tpu.memref_slice %arg3[%add3A, %mul3A_179, %dma_start3A_186] : memref<32x80x128xi32, #tpu.memory_space<hbm>> -> memref<1x8x128xi32, #tpu.memory_space<hbm>>
        %dma_start3A_188 = tpu.memref_squeeze %dma_start3A_187 : memref<1x8x128xi32, #tpu.memory_space<hbm>> -> memref<8x128xi32, #tpu.memory_space<hbm>>
        %dma_start3A_189 = arith.constant 0 : i32
        %dma_start3A_190 = arith.constant 0 : i32
        %dma_start3A_191 = tpu.memref_slice %arg8[%sub3A_181, %dma_start3A_189, %dma_start3A_190] : memref<2x8x128xi32, #tpu.memory_space<vmem>> -> memref<1x8x128xi32, #tpu.memory_space<vmem>>
        %dma_start3A_192 = tpu.memref_squeeze %dma_start3A_191 : memref<1x8x128xi32, #tpu.memory_space<vmem>> -> memref<8x128xi32, #tpu.memory_space<vmem>>
        %dma_start3A_193 = arith.constant 0 : i32
        %dma_start3A_194 = tpu.memref_slice %arg3[%add3A, %mul3A_179, %dma_start3A_193] : memref<32x80x128xi32, #tpu.memory_space<hbm>> -> memref<1x8x128xi32, #tpu.memory_space<hbm>>
        %dma_start3A_195 = tpu.memref_squeeze %dma_start3A_194 : memref<1x8x128xi32, #tpu.memory_space<hbm>> -> memref<8x128xi32, #tpu.memory_space<hbm>>
        tpu.enqueue_dma source(%dma_start3A_195 : memref<8x128xi32, #tpu.memory_space<hbm>>) target(%dma_start3A_192 : memref<8x128xi32, #tpu.memory_space<vmem>>) target_semaphore(%arg12 : memref<!tpu.dma_semaphore, #tpu.memory_space<semaphore_mem>>)
        %add3A_196 = arith.constant 1 : i32
        %add3A_197 = arith.addi %select_n3A_84, %add3A_196 : i32
        %mul3A_198 = arith.constant 8 : i32
        %mul3A_199 = arith.muli %add3A_197, %mul3A_198 : i32
        %sub3A_200 = arith.constant 1 : i32
        %sub3A_201 = arith.subi %sub3A_200, %select_n3A_100 : i32
        %dma_start3A_202 = arith.constant 0 : i32
        %dma_start3A_203 = arith.constant 0 : i32
        %dma_start3A_204 = tpu.memref_slice %arg9[%sub3A_201, %dma_start3A_202, %dma_start3A_203] : memref<2x8x128xi32, #tpu.memory_space<vmem>> -> memref<1x8x128xi32, #tpu.memory_space<vmem>>
        %dma_start3A_205 = tpu.memref_squeeze %dma_start3A_204 : memref<1x8x128xi32, #tpu.memory_space<vmem>> -> memref<8x128xi32, #tpu.memory_space<vmem>>
        %dma_start3A_206 = arith.constant 0 : i32
        %dma_start3A_207 = tpu.memref_slice %arg4[%add3A, %mul3A_199, %dma_start3A_206] : memref<32x80x128xi32, #tpu.memory_space<hbm>> -> memref<1x8x128xi32, #tpu.memory_space<hbm>>
        %dma_start3A_208 = tpu.memref_squeeze %dma_start3A_207 : memref<1x8x128xi32, #tpu.memory_space<hbm>> -> memref<8x128xi32, #tpu.memory_space<hbm>>
        %dma_start3A_209 = arith.constant 0 : i32
        %dma_start3A_210 = arith.constant 0 : i32
        %dma_start3A_211 = tpu.memref_slice %arg9[%sub3A_201, %dma_start3A_209, %dma_start3A_210] : memref<2x8x128xi32, #tpu.memory_space<vmem>> -> memref<1x8x128xi32, #tpu.memory_space<vmem>>
        %dma_start3A_212 = tpu.memref_squeeze %dma_start3A_211 : memref<1x8x128xi32, #tpu.memory_space<vmem>> -> memref<8x128xi32, #tpu.memory_space<vmem>>
        %dma_start3A_213 = arith.constant 0 : i32
        %dma_start3A_214 = tpu.memref_slice %arg4[%add3A, %mul3A_199, %dma_start3A_213] : memref<32x80x128xi32, #tpu.memory_space<hbm>> -> memref<1x8x128xi32, #tpu.memory_space<hbm>>
        %dma_start3A_215 = tpu.memref_squeeze %dma_start3A_214 : memref<1x8x128xi32, #tpu.memory_space<hbm>> -> memref<8x128xi32, #tpu.memory_space<hbm>>
        tpu.enqueue_dma source(%dma_start3A_215 : memref<8x128xi32, #tpu.memory_space<hbm>>) target(%dma_start3A_212 : memref<8x128xi32, #tpu.memory_space<vmem>>) target_semaphore(%arg12 : memref<!tpu.dma_semaphore, #tpu.memory_space<semaphore_mem>>)
      } else {
      }
      %eq3A_127 = arith.constant 7 : i32
      %eq3A_128 = arith.cmpi eq, %select_n3A_116, %eq3A_127 : i32
      %add3A_129 = arith.constant 1 : i32
      %add3A_130 = arith.addi %select_n3A_84, %add3A_129 : i32
      %lt3A_131 = arith.constant 10 : i32
      %lt3A_132 = arith.cmpi slt, %add3A_130, %lt3A_131 : i32
      %and3A_133 = arith.andi %eq3A_128, %lt3A_132 : i1
      %convert_element_type3A_134 = arith.extui %and3A_133 : i1 to i32
      %cond3A_135 = arith.constant 0 : i32
      %cond3A_136 = arith.cmpi ne, %convert_element_type3A_134, %cond3A_135 : i32
      scf.if %cond3A_136 {
        %add3A_176 = arith.constant 1 : i32
        %add3A_177 = arith.addi %select_n3A_84, %add3A_176 : i32
        %mul3A_178 = arith.constant 8 : i32
        %mul3A_179 = arith.muli %add3A_177, %mul3A_178 : i32
        %sub3A_180 = arith.constant 1 : i32
        %sub3A_181 = arith.subi %sub3A_180, %select_n3A_100 : i32
        %dma_wait3A_182 = arith.constant 0 : i32
        %dma_wait3A_183 = arith.constant 0 : i32
        %dma_wait3A_184 = tpu.memref_slice %arg8[%sub3A_181, %dma_wait3A_182, %dma_wait3A_183] : memref<2x8x128xi32, #tpu.memory_space<vmem>> -> memref<1x8x128xi32, #tpu.memory_space<vmem>>
        %dma_wait3A_185 = tpu.memref_squeeze %dma_wait3A_184 : memref<1x8x128xi32, #tpu.memory_space<vmem>> -> memref<8x128xi32, #tpu.memory_space<vmem>>
        %dma_wait3A_186 = arith.constant 0 : i32
        %dma_wait3A_187 = tpu.memref_slice %arg3[%add3A, %mul3A_179, %dma_wait3A_186] : memref<32x80x128xi32, #tpu.memory_space<hbm>> -> memref<1x8x128xi32, #tpu.memory_space<hbm>>
        %dma_wait3A_188 = tpu.memref_squeeze %dma_wait3A_187 : memref<1x8x128xi32, #tpu.memory_space<hbm>> -> memref<8x128xi32, #tpu.memory_space<hbm>>
        %dma_wait3A_189 = arith.constant 0 : i32
        %dma_wait3A_190 = arith.constant 0 : i32
        %dma_wait3A_191 = tpu.memref_slice %arg8[%sub3A_181, %dma_wait3A_189, %dma_wait3A_190] : memref<2x8x128xi32, #tpu.memory_space<vmem>> -> memref<1x8x128xi32, #tpu.memory_space<vmem>>
        %dma_wait3A_192 = tpu.memref_squeeze %dma_wait3A_191 : memref<1x8x128xi32, #tpu.memory_space<vmem>> -> memref<8x128xi32, #tpu.memory_space<vmem>>
        %dma_wait3A_193 = arith.constant 0 : i32
        %dma_wait3A_194 = tpu.memref_slice %arg3[%add3A, %mul3A_179, %dma_wait3A_193] : memref<32x80x128xi32, #tpu.memory_space<hbm>> -> memref<1x8x128xi32, #tpu.memory_space<hbm>>
        %dma_wait3A_195 = tpu.memref_squeeze %dma_wait3A_194 : memref<1x8x128xi32, #tpu.memory_space<hbm>> -> memref<8x128xi32, #tpu.memory_space<hbm>>
        tpu.wait_dma2 semaphore(%arg12 : memref<!tpu.dma_semaphore, #tpu.memory_space<semaphore_mem>>) src(%dma_wait3A_195 : memref<8x128xi32, #tpu.memory_space<hbm>>) dst(%dma_wait3A_192 : memref<8x128xi32, #tpu.memory_space<vmem>>)
        %add3A_196 = arith.constant 1 : i32
        %add3A_197 = arith.addi %select_n3A_84, %add3A_196 : i32
        %mul3A_198 = arith.constant 8 : i32
        %mul3A_199 = arith.muli %add3A_197, %mul3A_198 : i32
        %sub3A_200 = arith.constant 1 : i32
        %sub3A_201 = arith.subi %sub3A_200, %select_n3A_100 : i32
        %dma_wait3A_202 = arith.constant 0 : i32
        %dma_wait3A_203 = arith.constant 0 : i32
        %dma_wait3A_204 = tpu.memref_slice %arg9[%sub3A_201, %dma_wait3A_202, %dma_wait3A_203] : memref<2x8x128xi32, #tpu.memory_space<vmem>> -> memref<1x8x128xi32, #tpu.memory_space<vmem>>
        %dma_wait3A_205 = tpu.memref_squeeze %dma_wait3A_204 : memref<1x8x128xi32, #tpu.memory_space<vmem>> -> memref<8x128xi32, #tpu.memory_space<vmem>>
        %dma_wait3A_206 = arith.constant 0 : i32
        %dma_wait3A_207 = tpu.memref_slice %arg4[%add3A, %mul3A_199, %dma_wait3A_206] : memref<32x80x128xi32, #tpu.memory_space<hbm>> -> memref<1x8x128xi32, #tpu.memory_space<hbm>>
        %dma_wait3A_208 = tpu.memref_squeeze %dma_wait3A_207 : memref<1x8x128xi32, #tpu.memory_space<hbm>> -> memref<8x128xi32, #tpu.memory_space<hbm>>
        %dma_wait3A_209 = arith.constant 0 : i32
        %dma_wait3A_210 = arith.constant 0 : i32
        %dma_wait3A_211 = tpu.memref_slice %arg9[%sub3A_201, %dma_wait3A_209, %dma_wait3A_210] : memref<2x8x128xi32, #tpu.memory_space<vmem>> -> memref<1x8x128xi32, #tpu.memory_space<vmem>>
        %dma_wait3A_212 = tpu.memref_squeeze %dma_wait3A_211 : memref<1x8x128xi32, #tpu.memory_space<vmem>> -> memref<8x128xi32, #tpu.memory_space<vmem>>
        %dma_wait3A_213 = arith.constant 0 : i32
        %dma_wait3A_214 = tpu.memref_slice %arg4[%add3A, %mul3A_199, %dma_wait3A_213] : memref<32x80x128xi32, #tpu.memory_space<hbm>> -> memref<1x8x128xi32, #tpu.memory_space<hbm>>
        %dma_wait3A_215 = tpu.memref_squeeze %dma_wait3A_214 : memref<1x8x128xi32, #tpu.memory_space<hbm>> -> memref<8x128xi32, #tpu.memory_space<hbm>>
        tpu.wait_dma2 semaphore(%arg12 : memref<!tpu.dma_semaphore, #tpu.memory_space<semaphore_mem>>) src(%dma_wait3A_215 : memref<8x128xi32, #tpu.memory_space<hbm>>) dst(%dma_wait3A_212 : memref<8x128xi32, #tpu.memory_space<vmem>>)
      } else {
      }
      %ge3A = arith.constant 1 : i32
      %ge3A_137 = arith.cmpi sge, %scan3A_54, %ge3A : i32
      %convert_element_type3A_138 = arith.extui %ge3A_137 : i1 to i32
      %cond3A_139 = arith.constant 0 : i32
      %cond3A_140 = arith.cmpi ne, %convert_element_type3A_138, %cond3A_139 : i32
      scf.if %cond3A_140 {
        %sub3A_176 = arith.constant 1 : i32
        %sub3A_177 = arith.subi %scan3A_54, %sub3A_176 : i32
        %jit3A_178 = arith.constant 8 : i32
        %div3A_179 = arith.divsi %sub3A_177, %jit3A_178 : i32
        %sign3A_180 = arith.constant 0 : i32
        %sign3A_181 = arith.cmpi sgt, %sub3A_177, %sign3A_180 : i32
        %sign3A_182 = arith.extui %sign3A_181 : i1 to i32
        %sign3A_183 = arith.constant 0 : i32
        %sign3A_184 = arith.cmpi slt, %sub3A_177, %sign3A_183 : i32
        %sign3A_185 = arith.extui %sign3A_184 : i1 to i32
        %sign3A_186 = arith.subi %sign3A_182, %sign3A_185 : i32
        %sign3A_187 = arith.constant 0 : i32
        %sign3A_188 = arith.cmpi sgt, %jit3A_178, %sign3A_187 : i32
        %sign3A_189 = arith.extui %sign3A_188 : i1 to i32
        %sign3A_190 = arith.constant 0 : i32
        %sign3A_191 = arith.cmpi slt, %jit3A_178, %sign3A_190 : i32
        %sign3A_192 = arith.extui %sign3A_191 : i1 to i32
        %sign3A_193 = arith.subi %sign3A_189, %sign3A_192 : i32
        %ne3A_194 = arith.cmpi ne, %sign3A_186, %sign3A_193 : i32
        %rem3A_195 = arith.remsi %sub3A_177, %jit3A_178 : i32
        %ne3A_196 = arith.constant 0 : i32
        %ne3A_197 = arith.cmpi ne, %rem3A_195, %ne3A_196 : i32
        %and3A_198 = arith.andi %ne3A_194, %ne3A_197 : i1
        %sub3A_199 = arith.constant 1 : i32
        %sub3A_200 = arith.subi %div3A_179, %sub3A_199 : i32
        %select_n3A_201 = arith.select %and3A_198, %sub3A_200, %div3A_179 : i32
        %jit3A_202 = arith.constant 2 : i32
        %eq3A_203 = arith.constant 0 : i32
        %eq3A_204 = arith.cmpi eq, %jit3A_202, %eq3A_203 : i32
        %jit3A_205 = arith.constant 1 : i32
        %select_n3A_206 = arith.select %eq3A_204, %jit3A_205, %jit3A_202 : i32
        %rem3A_207 = arith.remsi %select_n3A_201, %select_n3A_206 : i32
        %ne3A_208 = arith.constant 0 : i32
        %ne3A_209 = arith.cmpi ne, %rem3A_207, %ne3A_208 : i32
        %lt3A_210 = arith.constant 0 : i32
        %lt3A_211 = arith.cmpi slt, %rem3A_207, %lt3A_210 : i32
        %lt3A_212 = arith.constant 0 : i32
        %lt3A_213 = arith.cmpi slt, %select_n3A_206, %lt3A_212 : i32
        %ne3A_214 = arith.xori %lt3A_211, %lt3A_213 : i1
        %and3A_215 = arith.andi %ne3A_214, %ne3A_209 : i1
        %add3A_216 = arith.addi %rem3A_207, %select_n3A_206 : i32
        %select_n3A_217 = arith.select %and3A_215, %add3A_216, %rem3A_207 : i32
        %sub3A_218 = arith.constant 1 : i32
        %sub3A_219 = arith.subi %sub3A_218, %select_n3A_63 : i32
        %sub3A_220 = arith.constant 1 : i32
        %sub3A_221 = arith.subi %scan3A_54, %sub3A_220 : i32
        %jit3A_222 = arith.constant 8 : i32
        %eq3A_223 = arith.constant 0 : i32
        %eq3A_224 = arith.cmpi eq, %jit3A_222, %eq3A_223 : i32
        %jit3A_225 = arith.constant 1 : i32
        %select_n3A_226 = arith.select %eq3A_224, %jit3A_225, %jit3A_222 : i32
        %rem3A_227 = arith.remsi %sub3A_221, %select_n3A_226 : i32
        %ne3A_228 = arith.constant 0 : i32
        %ne3A_229 = arith.cmpi ne, %rem3A_227, %ne3A_228 : i32
        %lt3A_230 = arith.constant 0 : i32
        %lt3A_231 = arith.cmpi slt, %rem3A_227, %lt3A_230 : i32
        %lt3A_232 = arith.constant 0 : i32
        %lt3A_233 = arith.cmpi slt, %select_n3A_226, %lt3A_232 : i32
        %ne3A_234 = arith.xori %lt3A_231, %lt3A_233 : i1
        %and3A_235 = arith.andi %ne3A_234, %ne3A_229 : i1
        %add3A_236 = arith.addi %rem3A_227, %select_n3A_226 : i32
        %select_n3A_237 = arith.select %and3A_235, %add3A_236, %rem3A_227 : i32
        %dma_wait3A_238 = arith.constant 0 : i32
        %dma_wait3A_239 = arith.constant 0 : i32
        %dma_wait3A_240 = tpu.memref_slice %arg10[%sub3A_219, %dma_wait3A_238, %dma_wait3A_239] : memref<2x128x128xf32, #tpu.memory_space<vmem>> -> memref<1x128x128xf32, #tpu.memory_space<vmem>>
        %dma_wait3A_241 = tpu.memref_squeeze %dma_wait3A_240 : memref<1x128x128xf32, #tpu.memory_space<vmem>> -> memref<128x128xf32, #tpu.memory_space<vmem>>
        %dma_wait3A_242 = arith.constant 0 : i32
        %dma_wait3A_243 = tpu.memref_slice %arg9[%select_n3A_217, %select_n3A_237, %dma_wait3A_242] : memref<2x8x128xi32, #tpu.memory_space<vmem>> -> memref<1x1x128xi32, #tpu.memory_space<vmem>>
        %dma_wait3A_244 = tpu.memref_squeeze %dma_wait3A_243 : memref<1x1x128xi32, #tpu.memory_space<vmem>> -> memref<128xi32, #tpu.memory_space<vmem>>
        %dma_wait3A_245 = arith.constant 0 : i32
        %dma_wait3A_246 = arith.constant 0 : i32
        %dma_wait3A_247 = tpu.memref_slice %arg7[%dma_wait3A_245, %dma_wait3A_246] : memref<10112x128xf32, #tpu.memory_space<vmem_shared>> -> memref<10112x128xf32, #tpu.memory_space<vmem_shared>>
        tpu.wait_indirect_dma semaphore(%arg13 : memref<!tpu.dma_semaphore, #tpu.memory_space<semaphore_mem>>) src(%dma_wait3A_241 : memref<128x128xf32, #tpu.memory_space<vmem>>) dst(%dma_wait3A_247 : memref<10112x128xf32, #tpu.memory_space<vmem_shared>>)
      } else {
      }
      %lt3A_141 = arith.constant 80 : i32
      %lt3A_142 = arith.cmpi slt, %add3A_118, %lt3A_141 : i32
      %convert_element_type3A_143 = arith.extui %lt3A_142 : i1 to i32
      %cond3A_144 = arith.constant 0 : i32
      %cond3A_145 = arith.cmpi ne, %convert_element_type3A_143, %cond3A_144 : i32
      scf.if %cond3A_145 {
        %jit3A_176 = arith.constant 8 : i32
        %div3A_177 = arith.divsi %add3A_118, %jit3A_176 : i32
        %sign3A_178 = arith.constant 0 : i32
        %sign3A_179 = arith.cmpi sgt, %add3A_118, %sign3A_178 : i32
        %sign3A_180 = arith.extui %sign3A_179 : i1 to i32
        %sign3A_181 = arith.constant 0 : i32
        %sign3A_182 = arith.cmpi slt, %add3A_118, %sign3A_181 : i32
        %sign3A_183 = arith.extui %sign3A_182 : i1 to i32
        %sign3A_184 = arith.subi %sign3A_180, %sign3A_183 : i32
        %sign3A_185 = arith.constant 0 : i32
        %sign3A_186 = arith.cmpi sgt, %jit3A_176, %sign3A_185 : i32
        %sign3A_187 = arith.extui %sign3A_186 : i1 to i32
        %sign3A_188 = arith.constant 0 : i32
        %sign3A_189 = arith.cmpi slt, %jit3A_176, %sign3A_188 : i32
        %sign3A_190 = arith.extui %sign3A_189 : i1 to i32
        %sign3A_191 = arith.subi %sign3A_187, %sign3A_190 : i32
        %ne3A_192 = arith.cmpi ne, %sign3A_184, %sign3A_191 : i32
        %rem3A_193 = arith.remsi %add3A_118, %jit3A_176 : i32
        %ne3A_194 = arith.constant 0 : i32
        %ne3A_195 = arith.cmpi ne, %rem3A_193, %ne3A_194 : i32
        %and3A_196 = arith.andi %ne3A_192, %ne3A_195 : i1
        %sub3A_197 = arith.constant 1 : i32
        %sub3A_198 = arith.subi %div3A_177, %sub3A_197 : i32
        %select_n3A_199 = arith.select %and3A_196, %sub3A_198, %div3A_177 : i32
        %jit3A_200 = arith.constant 2 : i32
        %eq3A_201 = arith.constant 0 : i32
        %eq3A_202 = arith.cmpi eq, %jit3A_200, %eq3A_201 : i32
        %jit3A_203 = arith.constant 1 : i32
        %select_n3A_204 = arith.select %eq3A_202, %jit3A_203, %jit3A_200 : i32
        %rem3A_205 = arith.remsi %select_n3A_199, %select_n3A_204 : i32
        %ne3A_206 = arith.constant 0 : i32
        %ne3A_207 = arith.cmpi ne, %rem3A_205, %ne3A_206 : i32
        %lt3A_208 = arith.constant 0 : i32
        %lt3A_209 = arith.cmpi slt, %rem3A_205, %lt3A_208 : i32
        %lt3A_210 = arith.constant 0 : i32
        %lt3A_211 = arith.cmpi slt, %select_n3A_204, %lt3A_210 : i32
        %ne3A_212 = arith.xori %lt3A_209, %lt3A_211 : i1
        %and3A_213 = arith.andi %ne3A_212, %ne3A_207 : i1
        %add3A_214 = arith.addi %rem3A_205, %select_n3A_204 : i32
        %select_n3A_215 = arith.select %and3A_213, %add3A_214, %rem3A_205 : i32
        %jit3A_216 = arith.constant 8 : i32
        %eq3A_217 = arith.constant 0 : i32
        %eq3A_218 = arith.cmpi eq, %jit3A_216, %eq3A_217 : i32
        %jit3A_219 = arith.constant 1 : i32
        %select_n3A_220 = arith.select %eq3A_218, %jit3A_219, %jit3A_216 : i32
        %rem3A_221 = arith.remsi %add3A_118, %select_n3A_220 : i32
        %ne3A_222 = arith.constant 0 : i32
        %ne3A_223 = arith.cmpi ne, %rem3A_221, %ne3A_222 : i32
        %lt3A_224 = arith.constant 0 : i32
        %lt3A_225 = arith.cmpi slt, %rem3A_221, %lt3A_224 : i32
        %lt3A_226 = arith.constant 0 : i32
        %lt3A_227 = arith.cmpi slt, %select_n3A_220, %lt3A_226 : i32
        %ne3A_228 = arith.xori %lt3A_225, %lt3A_227 : i1
        %and3A_229 = arith.andi %ne3A_228, %ne3A_223 : i1
        %add3A_230 = arith.addi %rem3A_221, %select_n3A_220 : i32
        %select_n3A_231 = arith.select %and3A_229, %add3A_230, %rem3A_221 : i32
        %sub3A_232 = arith.constant 1 : i32
        %sub3A_233 = arith.subi %sub3A_232, %select_n3A_63 : i32
        %dma_start3A_234 = arith.constant 0 : i32
        %dma_start3A_235 = arith.constant 0 : i32
        %dma_start3A_236 = tpu.memref_slice %arg10[%sub3A_233, %dma_start3A_234, %dma_start3A_235] : memref<2x128x128xf32, #tpu.memory_space<vmem>> -> memref<1x64x128xf32, #tpu.memory_space<vmem>>
        %dma_start3A_237 = tpu.memref_squeeze %dma_start3A_236 : memref<1x64x128xf32, #tpu.memory_space<vmem>> -> memref<64x128xf32, #tpu.memory_space<vmem>>
        %dma_start3A_238 = arith.constant 0 : i32
        %dma_start3A_239 = tpu.memref_slice %arg8[%select_n3A_215, %select_n3A_231, %dma_start3A_238] : memref<2x8x128xi32, #tpu.memory_space<vmem>> -> memref<1x1x64xi32, #tpu.memory_space<vmem>>
        %dma_start3A_240 = tpu.memref_squeeze %dma_start3A_239 : memref<1x1x64xi32, #tpu.memory_space<vmem>> -> memref<64xi32, #tpu.memory_space<vmem>>
        %dma_start3A_241 = arith.constant 0 : i32
        %dma_start3A_242 = arith.constant 0 : i32
        %dma_start3A_243 = tpu.memref_slice %arg2[%dma_start3A_241, %dma_start3A_242] : memref<10112x128xf32, #tpu.memory_space<hbm>> -> memref<10112x128xf32, #tpu.memory_space<hbm>>
        tpu.enqueue_indirect_dma source(%dma_start3A_243 : memref<10112x128xf32, #tpu.memory_space<hbm>>) target(%dma_start3A_237 : memref<64x128xf32, #tpu.memory_space<vmem>>) offsets(%dma_start3A_240 : memref<64xi32, #tpu.memory_space<vmem>>) semaphore(%arg11 : memref<!tpu.dma_semaphore, #tpu.memory_space<semaphore_mem>>)
        %sub3A_244 = arith.constant 1 : i32
        %sub3A_245 = arith.subi %sub3A_244, %select_n3A_63 : i32
        %dma_start3A_246 = arith.constant 64 : i32
        %dma_start3A_247 = arith.constant 0 : i32
        %dma_start3A_248 = tpu.memref_slice %arg10[%sub3A_245, %dma_start3A_246, %dma_start3A_247] : memref<2x128x128xf32, #tpu.memory_space<vmem>> -> memref<1x64x128xf32, #tpu.memory_space<vmem>>
        %dma_start3A_249 = tpu.memref_squeeze %dma_start3A_248 : memref<1x64x128xf32, #tpu.memory_space<vmem>> -> memref<64x128xf32, #tpu.memory_space<vmem>>
        %dma_start3A_250 = arith.constant 64 : i32
        %dma_start3A_251 = tpu.memref_slice %arg8[%select_n3A_215, %select_n3A_231, %dma_start3A_250] : memref<2x8x128xi32, #tpu.memory_space<vmem>> -> memref<1x1x64xi32, #tpu.memory_space<vmem>>
        %dma_start3A_252 = tpu.memref_squeeze %dma_start3A_251 : memref<1x1x64xi32, #tpu.memory_space<vmem>> -> memref<64xi32, #tpu.memory_space<vmem>>
        %dma_start3A_253 = arith.constant 0 : i32
        %dma_start3A_254 = arith.constant 0 : i32
        %dma_start3A_255 = tpu.memref_slice %arg2[%dma_start3A_253, %dma_start3A_254] : memref<10112x128xf32, #tpu.memory_space<hbm>> -> memref<10112x128xf32, #tpu.memory_space<hbm>>
        tpu.enqueue_indirect_dma source(%dma_start3A_255 : memref<10112x128xf32, #tpu.memory_space<hbm>>) target(%dma_start3A_249 : memref<64x128xf32, #tpu.memory_space<vmem>>) offsets(%dma_start3A_252 : memref<64xi32, #tpu.memory_space<vmem>>) semaphore(%arg11 : memref<!tpu.dma_semaphore, #tpu.memory_space<semaphore_mem>>)
      } else {
      }
      %dma_wait3A_146 = arith.constant 0 : i32
      %dma_wait3A_147 = arith.constant 0 : i32
      %dma_wait3A_148 = tpu.memref_slice %arg10[%select_n3A_63, %dma_wait3A_146, %dma_wait3A_147] : memref<2x128x128xf32, #tpu.memory_space<vmem>> -> memref<1x64x128xf32, #tpu.memory_space<vmem>>
      %dma_wait3A_149 = tpu.memref_squeeze %dma_wait3A_148 : memref<1x64x128xf32, #tpu.memory_space<vmem>> -> memref<64x128xf32, #tpu.memory_space<vmem>>
      %dma_wait3A_150 = arith.constant 0 : i32
      %dma_wait3A_151 = tpu.memref_slice %arg8[%select_n3A_100, %select_n3A_116, %dma_wait3A_150] : memref<2x8x128xi32, #tpu.memory_space<vmem>> -> memref<1x1x64xi32, #tpu.memory_space<vmem>>
      %dma_wait3A_152 = tpu.memref_squeeze %dma_wait3A_151 : memref<1x1x64xi32, #tpu.memory_space<vmem>> -> memref<64xi32, #tpu.memory_space<vmem>>
      %dma_wait3A_153 = arith.constant 0 : i32
      %dma_wait3A_154 = arith.constant 0 : i32
      %dma_wait3A_155 = tpu.memref_slice %arg2[%dma_wait3A_153, %dma_wait3A_154] : memref<10112x128xf32, #tpu.memory_space<hbm>> -> memref<10112x128xf32, #tpu.memory_space<hbm>>
      tpu.wait_indirect_dma semaphore(%arg11 : memref<!tpu.dma_semaphore, #tpu.memory_space<semaphore_mem>>) src(%dma_wait3A_155 : memref<10112x128xf32, #tpu.memory_space<hbm>>) dst(%dma_wait3A_149 : memref<64x128xf32, #tpu.memory_space<vmem>>)
      %dma_wait3A_156 = arith.constant 64 : i32
      %dma_wait3A_157 = arith.constant 0 : i32
      %dma_wait3A_158 = tpu.memref_slice %arg10[%select_n3A_63, %dma_wait3A_156, %dma_wait3A_157] : memref<2x128x128xf32, #tpu.memory_space<vmem>> -> memref<1x64x128xf32, #tpu.memory_space<vmem>>
      %dma_wait3A_159 = tpu.memref_squeeze %dma_wait3A_158 : memref<1x64x128xf32, #tpu.memory_space<vmem>> -> memref<64x128xf32, #tpu.memory_space<vmem>>
      %dma_wait3A_160 = arith.constant 64 : i32
      %dma_wait3A_161 = tpu.memref_slice %arg8[%select_n3A_100, %select_n3A_116, %dma_wait3A_160] : memref<2x8x128xi32, #tpu.memory_space<vmem>> -> memref<1x1x64xi32, #tpu.memory_space<vmem>>
      %dma_wait3A_162 = tpu.memref_squeeze %dma_wait3A_161 : memref<1x1x64xi32, #tpu.memory_space<vmem>> -> memref<64xi32, #tpu.memory_space<vmem>>
      %dma_wait3A_163 = arith.constant 0 : i32
      %dma_wait3A_164 = arith.constant 0 : i32
      %dma_wait3A_165 = tpu.memref_slice %arg2[%dma_wait3A_163, %dma_wait3A_164] : memref<10112x128xf32, #tpu.memory_space<hbm>> -> memref<10112x128xf32, #tpu.memory_space<hbm>>
      tpu.wait_indirect_dma semaphore(%arg11 : memref<!tpu.dma_semaphore, #tpu.memory_space<semaphore_mem>>) src(%dma_wait3A_165 : memref<10112x128xf32, #tpu.memory_space<hbm>>) dst(%dma_wait3A_159 : memref<64x128xf32, #tpu.memory_space<vmem>>)
      %dma_start3A_166 = arith.constant 0 : i32
      %dma_start3A_167 = arith.constant 0 : i32
      %dma_start3A_168 = tpu.memref_slice %arg10[%select_n3A_63, %dma_start3A_166, %dma_start3A_167] : memref<2x128x128xf32, #tpu.memory_space<vmem>> -> memref<1x128x128xf32, #tpu.memory_space<vmem>>
      %dma_start3A_169 = tpu.memref_squeeze %dma_start3A_168 : memref<1x128x128xf32, #tpu.memory_space<vmem>> -> memref<128x128xf32, #tpu.memory_space<vmem>>
      %dma_start3A_170 = arith.constant 0 : i32
      %dma_start3A_171 = tpu.memref_slice %arg9[%select_n3A_100, %select_n3A_116, %dma_start3A_170] : memref<2x8x128xi32, #tpu.memory_space<vmem>> -> memref<1x1x128xi32, #tpu.memory_space<vmem>>
      %dma_start3A_172 = tpu.memref_squeeze %dma_start3A_171 : memref<1x1x128xi32, #tpu.memory_space<vmem>> -> memref<128xi32, #tpu.memory_space<vmem>>
      %dma_start3A_173 = arith.constant 0 : i32
      %dma_start3A_174 = arith.constant 0 : i32
      %dma_start3A_175 = tpu.memref_slice %arg7[%dma_start3A_173, %dma_start3A_174] : memref<10112x128xf32, #tpu.memory_space<vmem_shared>> -> memref<10112x128xf32, #tpu.memory_space<vmem_shared>>
      tpu.enqueue_indirect_dma source(%dma_start3A_169 : memref<128x128xf32, #tpu.memory_space<vmem>>) target(%dma_start3A_175 : memref<10112x128xf32, #tpu.memory_space<vmem_shared>>) offsets(%dma_start3A_172 : memref<128xi32, #tpu.memory_space<vmem>>) semaphore(%arg13 : memref<!tpu.dma_semaphore, #tpu.memory_space<semaphore_mem>>) {add = true}
    }
    %scan3A_36 = arith.constant 80 : i32
    %dma_wait3A = arith.constant 1 : i32
    %dma_wait3A_37 = arith.constant 1 : i32
    %dma_wait3A_38 = arith.constant 7 : i32
    %dma_wait3A_39 = arith.constant 0 : i32
    %dma_wait3A_40 = arith.constant 0 : i32
    %dma_wait3A_41 = tpu.memref_slice %arg10[%dma_wait3A, %dma_wait3A_39, %dma_wait3A_40] : memref<2x128x128xf32, #tpu.memory_space<vmem>> -> memref<1x128x128xf32, #tpu.memory_space<vmem>>
    %dma_wait3A_42 = tpu.memref_squeeze %dma_wait3A_41 : memref<1x128x128xf32, #tpu.memory_space<vmem>> -> memref<128x128xf32, #tpu.memory_space<vmem>>
    %dma_wait3A_43 = arith.constant 0 : i32
    %dma_wait3A_44 = tpu.memref_slice %arg9[%dma_wait3A_37, %dma_wait3A_38, %dma_wait3A_43] : memref<2x8x128xi32, #tpu.memory_space<vmem>> -> memref<1x1x128xi32, #tpu.memory_space<vmem>>
    %dma_wait3A_45 = tpu.memref_squeeze %dma_wait3A_44 : memref<1x1x128xi32, #tpu.memory_space<vmem>> -> memref<128xi32, #tpu.memory_space<vmem>>
    %dma_wait3A_46 = arith.constant 0 : i32
    %dma_wait3A_47 = arith.constant 0 : i32
    %dma_wait3A_48 = tpu.memref_slice %arg7[%dma_wait3A_46, %dma_wait3A_47] : memref<10112x128xf32, #tpu.memory_space<vmem_shared>> -> memref<10112x128xf32, #tpu.memory_space<vmem_shared>>
    tpu.wait_indirect_dma semaphore(%arg13 : memref<!tpu.dma_semaphore, #tpu.memory_space<semaphore_mem>>) src(%dma_wait3A_42 : memref<128x128xf32, #tpu.memory_space<vmem>>) dst(%dma_wait3A_48 : memref<10112x128xf32, #tpu.memory_space<vmem_shared>>)
    %barrier3A_49 = arith.constant 0 : index
    tpu.barrier barrier_id(%barrier3A_49)
    %mul3A_50 = arith.constant 632 : i32
    %mul3A_51 = arith.muli %arg1, %mul3A_50 : i32
    %mul3A_52 = arith.constant 632 : i32
    %mul3A_53 = arith.muli %arg1, %mul3A_52 : i32
    "tpu.region"() ({
      %run_scoped3A_54 = tpu.sem_alloc : memref<!tpu.dma_semaphore, #tpu.memory_space<semaphore_mem>>
      %dma_start3A_55 = arith.constant 0 : i32
      %dma_start3A_56 = tpu.memref_slice %arg6[%arg0, %mul3A_53, %dma_start3A_55] : memref<2x10112x128xf32, #tpu.memory_space<hbm>> -> memref<1x632x128xf32, #tpu.memory_space<hbm>>
      %dma_start3A_57 = tpu.memref_squeeze %dma_start3A_56 : memref<1x632x128xf32, #tpu.memory_space<hbm>> -> memref<632x128xf32, #tpu.memory_space<hbm>>
      %dma_start3A_58 = arith.constant 0 : i32
      %dma_start3A_59 = tpu.memref_slice %arg7[%mul3A_51, %dma_start3A_58] : memref<10112x128xf32, #tpu.memory_space<vmem_shared>> -> memref<632x128xf32, #tpu.memory_space<vmem_shared>>
      tpu.enqueue_dma source(%dma_start3A_59 : memref<632x128xf32, #tpu.memory_space<vmem_shared>>) target(%dma_start3A_57 : memref<632x128xf32, #tpu.memory_space<hbm>>) target_semaphore(%run_scoped3A_54 : memref<!tpu.dma_semaphore, #tpu.memory_space<semaphore_mem>>)
      %dma_wait3A_60 = arith.constant 0 : i32
      %dma_wait3A_61 = tpu.memref_slice %arg6[%arg0, %mul3A_53, %dma_wait3A_60] : memref<2x10112x128xf32, #tpu.memory_space<hbm>> -> memref<1x632x128xf32, #tpu.memory_space<hbm>>
      %dma_wait3A_62 = tpu.memref_squeeze %dma_wait3A_61 : memref<1x632x128xf32, #tpu.memory_space<hbm>> -> memref<632x128xf32, #tpu.memory_space<hbm>>
      %dma_wait3A_63 = arith.constant 0 : i32
      %dma_wait3A_64 = tpu.memref_slice %arg7[%mul3A_51, %dma_wait3A_63] : memref<10112x128xf32, #tpu.memory_space<vmem_shared>> -> memref<632x128xf32, #tpu.memory_space<vmem_shared>>
      tpu.wait_dma2 semaphore(%run_scoped3A_54 : memref<!tpu.dma_semaphore, #tpu.memory_space<semaphore_mem>>) src(%dma_wait3A_64 : memref<632x128xf32, #tpu.memory_space<vmem_shared>>) dst(%dma_wait3A_62 : memref<632x128xf32, #tpu.memory_space<hbm>>)
      tpu.yield
    }) : () -> ()
    return
  }
}

module attributes {stable_mosaic.version = 14 : i64} {
  func.func @tc_body(%arg0: i32, %arg1: memref<2x2528x128xf32, #tpu.memory_space<vmem>>, %arg2: memref<2528x32xf32, #tpu.memory_space<vmem>>, %arg3: memref<2528x128xf32, #tpu.memory_space<vmem>>, %arg4: memref<128x256xf32, #tpu.memory_space<vmem>>, %arg5: memref<1x256xf32, #tpu.memory_space<vmem>>, %arg6: memref<128x256xf32, #tpu.memory_space<vmem>>, %arg7: memref<256x128xf32, #tpu.memory_space<vmem>>, %arg8: memref<1x128xf32, #tpu.memory_space<vmem>>, %arg9: memref<256x128xf32, #tpu.memory_space<vmem>>, %arg10: memref<2528x128xf32, #tpu.memory_space<vmem>>, %arg11: memref<2528x128xf32, #tpu.memory_space<vmem>>) attributes {dimension_semantics = [#tpu.dimension_semantics<arbitrary>], iteration_bounds = array<i64: 4>, scalar_prefetch = 0 : i64, scratch_operands = 0 : i64, tpu.core_type = #tpu.core_type<tc>, window_params = [{transform_indices = @transform_0, window_bounds = array<i64: 2, 2528, 128>}, {transform_indices = @transform_1, window_bounds = array<i64: 2528, 32>}, {transform_indices = @transform_2, window_bounds = array<i64: 2528, 128>}, {pipeline_mode = #tpu.pipeline_mode<synchronous>, transform_indices = @transform_3, window_bounds = array<i64: 128, 256>}, {pipeline_mode = #tpu.pipeline_mode<synchronous>, transform_indices = @transform_4, window_bounds = array<i64: 1, 256>}, {pipeline_mode = #tpu.pipeline_mode<synchronous>, transform_indices = @transform_5, window_bounds = array<i64: 128, 256>}, {pipeline_mode = #tpu.pipeline_mode<synchronous>, transform_indices = @transform_6, window_bounds = array<i64: 256, 128>}, {pipeline_mode = #tpu.pipeline_mode<synchronous>, transform_indices = @transform_7, window_bounds = array<i64: 1, 128>}, {pipeline_mode = #tpu.pipeline_mode<synchronous>, transform_indices = @transform_8, window_bounds = array<i64: 256, 128>}, {transform_indices = @transform_9, window_bounds = array<i64: 2528, 128>}, {transform_indices = @transform_10, window_bounds = array<i64: 2528, 128>}]} {
    %get3A = arith.constant 0 : index
    %get3A_0 = arith.constant 0 : index
    %get3A_1 = arith.constant 0 : index
    %get3A_2 = vector.load %arg1[%get3A, %get3A_0, %get3A_1] : memref<2x2528x128xf32, #tpu.memory_space<vmem>>, vector<1x2528x128xf32>
    %get3A_3 = vector.shape_cast %get3A_2 : vector<1x2528x128xf32> to vector<2528x128xf32>
    %get3A_4 = arith.constant 1 : index
    %get3A_5 = arith.constant 0 : index
    %get3A_6 = arith.constant 0 : index
    %get3A_7 = vector.load %arg1[%get3A_4, %get3A_5, %get3A_6] : memref<2x2528x128xf32, #tpu.memory_space<vmem>>, vector<1x2528x128xf32>
    %get3A_8 = vector.shape_cast %get3A_7 : vector<1x2528x128xf32> to vector<2528x128xf32>
    %add3A = arith.addf %get3A_3, %get3A_8 : vector<2528x128xf32>
    %get3A_9 = arith.constant 0 : index
    %get3A_10 = arith.constant 0 : index
    %get3A_11 = vector.load %arg2[%get3A_9, %get3A_10] : memref<2528x32xf32, #tpu.memory_space<vmem>>, vector<2528x32xf32>
    %reduce_sum3A = arith.constant dense<0.000000e+00> : vector<2528xf32>
    %reduce_sum3A_12 = vector.multi_reduction <add>, %get3A_11, %reduce_sum3A [1] : vector<2528x32xf32> to vector<2528xf32>
    %broadcast_in_dim3A = vector.shape_cast %reduce_sum3A_12 : vector<2528xf32> to vector<2528x1xf32>
    %max3A = arith.constant 1.000000e+00 : f32
    %max3A_13 = vector.broadcast %max3A : f32 to vector<2528x1xf32>
    %max3A_14 = arith.maximumf %broadcast_in_dim3A, %max3A_13 : vector<2528x1xf32>
    %div3A = arith.constant 1.000000e+00 : f32
    %div3A_15 = vector.broadcast %div3A : f32 to vector<2528x1xf32>
    %div3A_16 = arith.divf %div3A_15, %max3A_14 : vector<2528x1xf32>
    %mul3A = vector.broadcast %div3A_16 : vector<2528x1xf32> to vector<2528x128xf32>
    %mul3A_17 = arith.mulf %add3A, %mul3A : vector<2528x128xf32>
    %get3A_18 = arith.constant 0 : index
    %get3A_19 = arith.constant 0 : index
    %get3A_20 = vector.load %arg4[%get3A_18, %get3A_19] : memref<128x256xf32, #tpu.memory_space<vmem>>, vector<128x256xf32>
    %dot_general3A = arith.constant dense<0.000000e+00> : vector<2528x256xf32>
    %dot_general3A_21 = tpu.matmul %mul3A_17, %get3A_20, %dot_general3A {dimension_numbers = #tpu.dot_dimension_numbers<[1], [0], [0], [1], [0, 0, 1, 1], [], []>, transpose_lhs_hint = false} : vector<2528x128xf32>, vector<128x256xf32>, vector<2528x256xf32> -> vector<2528x256xf32>
    %get3A_22 = arith.constant 0 : index
    %get3A_23 = arith.constant 0 : index
    %get3A_24 = vector.load %arg5[%get3A_22, %get3A_23] : memref<1x256xf32, #tpu.memory_space<vmem>>, vector<1x256xf32>
    %add3A_25 = vector.broadcast %get3A_24 : vector<1x256xf32> to vector<2528x256xf32>
    %add3A_26 = arith.addf %dot_general3A_21, %add3A_25 : vector<2528x256xf32>
    %get3A_27 = arith.constant 0 : index
    %get3A_28 = arith.constant 0 : index
    %get3A_29 = vector.load %arg3[%get3A_27, %get3A_28] : memref<2528x128xf32, #tpu.memory_space<vmem>>, vector<2528x128xf32>
    %get3A_30 = arith.constant 0 : index
    %get3A_31 = arith.constant 0 : index
    %get3A_32 = vector.load %arg6[%get3A_30, %get3A_31] : memref<128x256xf32, #tpu.memory_space<vmem>>, vector<128x256xf32>
    %dot_general3A_33 = arith.constant dense<0.000000e+00> : vector<2528x256xf32>
    %dot_general3A_34 = tpu.matmul %get3A_29, %get3A_32, %dot_general3A_33 {dimension_numbers = #tpu.dot_dimension_numbers<[1], [0], [0], [1], [0, 0, 1, 1], [], []>, transpose_lhs_hint = false} : vector<2528x128xf32>, vector<128x256xf32>, vector<2528x256xf32> -> vector<2528x256xf32>
    %add3A_35 = arith.addf %add3A_26, %dot_general3A_34 : vector<2528x256xf32>
    %ge3A = arith.constant 0.000000e+00 : f32
    %ge3A_36 = vector.broadcast %ge3A : f32 to vector<2528x256xf32>
    %ge3A_37 = arith.cmpf oge, %add3A_35, %ge3A_36 : vector<2528x256xf32>
    %mul3A_38 = arith.constant 0.00999999977 : f32
    %mul3A_39 = vector.broadcast %mul3A_38 : f32 to vector<2528x256xf32>
    %mul3A_40 = arith.mulf %mul3A_39, %add3A_35 : vector<2528x256xf32>
    %select_n3A = arith.select %ge3A_37, %add3A_35, %mul3A_40 : vector<2528x256xi1>, vector<2528x256xf32>
    %get3A_41 = arith.constant 0 : index
    %get3A_42 = arith.constant 0 : index
    %get3A_43 = vector.load %arg7[%get3A_41, %get3A_42] : memref<256x128xf32, #tpu.memory_space<vmem>>, vector<256x128xf32>
    %dot_general3A_44 = arith.constant dense<0.000000e+00> : vector<2528x128xf32>
    %dot_general3A_45 = tpu.matmul %select_n3A, %get3A_43, %dot_general3A_44 {dimension_numbers = #tpu.dot_dimension_numbers<[1], [0], [0], [1], [0, 0, 1, 1], [], []>, transpose_lhs_hint = false} : vector<2528x256xf32>, vector<256x128xf32>, vector<2528x128xf32> -> vector<2528x128xf32>
    %swap3A = arith.constant 0 : index
    %swap3A_46 = arith.constant 0 : index
    %swap3A_47 = vector.load %arg10[%swap3A, %swap3A_46] : memref<2528x128xf32, #tpu.memory_space<vmem>>, vector<2528x128xf32>
    tpu.vector_store %arg10[%swap3A, %swap3A_46], %dot_general3A_45 {strides = array<i32>} : memref<2528x128xf32, #tpu.memory_space<vmem>>, vector<2528x128xf32>,
    %get3A_48 = arith.constant 0 : index
    %get3A_49 = arith.constant 0 : index
    %get3A_50 = vector.load %arg9[%get3A_48, %get3A_49] : memref<256x128xf32, #tpu.memory_space<vmem>>, vector<256x128xf32>
    %dot_general3A_51 = arith.constant dense<0.000000e+00> : vector<2528x128xf32>
    %dot_general3A_52 = tpu.matmul %select_n3A, %get3A_50, %dot_general3A_51 {dimension_numbers = #tpu.dot_dimension_numbers<[1], [0], [0], [1], [0, 0, 1, 1], [], []>, transpose_lhs_hint = false} : vector<2528x256xf32>, vector<256x128xf32>, vector<2528x128xf32> -> vector<2528x128xf32>
    %get3A_53 = arith.constant 0 : index
    %get3A_54 = arith.constant 0 : index
    %get3A_55 = vector.load %arg8[%get3A_53, %get3A_54] : memref<1x128xf32, #tpu.memory_space<vmem>>, vector<1x128xf32>
    %add3A_56 = vector.broadcast %get3A_55 : vector<1x128xf32> to vector<2528x128xf32>
    %add3A_57 = arith.addf %dot_general3A_52, %add3A_56 : vector<2528x128xf32>
    %swap3A_58 = arith.constant 0 : index
    %swap3A_59 = arith.constant 0 : index
    %swap3A_60 = vector.load %arg11[%swap3A_58, %swap3A_59] : memref<2528x128xf32, #tpu.memory_space<vmem>>, vector<2528x128xf32>
    tpu.vector_store %arg11[%swap3A_58, %swap3A_59], %add3A_57 {strides = array<i32>} : memref<2528x128xf32, #tpu.memory_space<vmem>>, vector<2528x128xf32>,
    return
  }
  func.func @transform_0(%arg0: i32) -> (i32, i32, i32) {
    %c0_i32 = arith.constant 0 : i32
    %c0_i32_0 = arith.constant 0 : i32
    %c0_i32_1 = arith.constant 0 : i32
    return %c0_i32, %arg0, %c0_i32_0 : i32, i32, i32
  }
  func.func @transform_1(%arg0: i32) -> (i32, i32) {
    %c0_i32 = arith.constant 0 : i32
    %c0_i32_0 = arith.constant 0 : i32
    return %arg0, %c0_i32 : i32, i32
  }
  func.func @transform_2(%arg0: i32) -> (i32, i32) {
    %c0_i32 = arith.constant 0 : i32
    %c0_i32_0 = arith.constant 0 : i32
    return %arg0, %c0_i32 : i32, i32
  }
  func.func @transform_3(%arg0: i32) -> (i32, i32) {
    %c0_i32 = arith.constant 0 : i32
    %c0_i32_0 = arith.constant 0 : i32
    %c0_i32_1 = arith.constant 0 : i32
    return %c0_i32, %c0_i32_0 : i32, i32
  }
  func.func @transform_4(%arg0: i32) -> (i32, i32) {
    %c0_i32 = arith.constant 0 : i32
    %c0_i32_0 = arith.constant 0 : i32
    %c0_i32_1 = arith.constant 0 : i32
    return %c0_i32, %c0_i32_0 : i32, i32
  }
  func.func @transform_5(%arg0: i32) -> (i32, i32) {
    %c0_i32 = arith.constant 0 : i32
    %c0_i32_0 = arith.constant 0 : i32
    %c0_i32_1 = arith.constant 0 : i32
    return %c0_i32, %c0_i32_0 : i32, i32
  }
  func.func @transform_6(%arg0: i32) -> (i32, i32) {
    %c0_i32 = arith.constant 0 : i32
    %c0_i32_0 = arith.constant 0 : i32
    %c0_i32_1 = arith.constant 0 : i32
    return %c0_i32, %c0_i32_0 : i32, i32
  }
  func.func @transform_7(%arg0: i32) -> (i32, i32) {
    %c0_i32 = arith.constant 0 : i32
    %c0_i32_0 = arith.constant 0 : i32
    %c0_i32_1 = arith.constant 0 : i32
    return %c0_i32, %c0_i32_0 : i32, i32
  }
  func.func @transform_8(%arg0: i32) -> (i32, i32) {
    %c0_i32 = arith.constant 0 : i32
    %c0_i32_0 = arith.constant 0 : i32
    %c0_i32_1 = arith.constant 0 : i32
    return %c0_i32, %c0_i32_0 : i32, i32
  }
  func.func @transform_9(%arg0: i32) -> (i32, i32) {
    %c0_i32 = arith.constant 0 : i32
    %c0_i32_0 = arith.constant 0 : i32
    return %arg0, %c0_i32 : i32, i32
  }
  func.func @transform_10(%arg0: i32) -> (i32, i32) {
    %c0_i32 = arith.constant 0 : i32
    %c0_i32_0 = arith.constant 0 : i32
    return %arg0, %c0_i32 : i32, i32
  }
}

module attributes {stable_mosaic.version = 14 : i64} {
  func.func @tc_body(%arg0: i32, %arg1: memref<2x2528x128xf32, #tpu.memory_space<vmem>>, %arg2: memref<2528x32xf32, #tpu.memory_space<vmem>>, %arg3: memref<2528x128xf32, #tpu.memory_space<vmem>>, %arg4: memref<2528x128xf32, #tpu.memory_space<vmem>>) attributes {dimension_semantics = [#tpu.dimension_semantics<arbitrary>], iteration_bounds = array<i64: 4>, scalar_prefetch = 0 : i64, scratch_operands = 0 : i64, tpu.core_type = #tpu.core_type<tc>, window_params = [{transform_indices = @transform_0, window_bounds = array<i64: 2, 2528, 128>}, {transform_indices = @transform_1, window_bounds = array<i64: 2528, 32>}, {transform_indices = @transform_2, window_bounds = array<i64: 2528, 128>}, {transform_indices = @transform_3, window_bounds = array<i64: 2528, 128>}]} {
    %get3A = arith.constant 0 : index
    %get3A_0 = arith.constant 0 : index
    %get3A_1 = arith.constant 0 : index
    %get3A_2 = vector.load %arg1[%get3A, %get3A_0, %get3A_1] : memref<2x2528x128xf32, #tpu.memory_space<vmem>>, vector<1x2528x128xf32>
    %get3A_3 = vector.shape_cast %get3A_2 : vector<1x2528x128xf32> to vector<2528x128xf32>
    %get3A_4 = arith.constant 1 : index
    %get3A_5 = arith.constant 0 : index
    %get3A_6 = arith.constant 0 : index
    %get3A_7 = vector.load %arg1[%get3A_4, %get3A_5, %get3A_6] : memref<2x2528x128xf32, #tpu.memory_space<vmem>>, vector<1x2528x128xf32>
    %get3A_8 = vector.shape_cast %get3A_7 : vector<1x2528x128xf32> to vector<2528x128xf32>
    %add3A = arith.addf %get3A_3, %get3A_8 : vector<2528x128xf32>
    %get3A_9 = arith.constant 0 : index
    %get3A_10 = arith.constant 0 : index
    %get3A_11 = vector.load %arg2[%get3A_9, %get3A_10] : memref<2528x32xf32, #tpu.memory_space<vmem>>, vector<2528x32xf32>
    %reduce_sum3A = arith.constant dense<0.000000e+00> : vector<2528xf32>
    %reduce_sum3A_12 = vector.multi_reduction <add>, %get3A_11, %reduce_sum3A [1] : vector<2528x32xf32> to vector<2528xf32>
    %broadcast_in_dim3A = vector.shape_cast %reduce_sum3A_12 : vector<2528xf32> to vector<2528x1xf32>
    %max3A = arith.constant 1.000000e+00 : f32
    %max3A_13 = vector.broadcast %max3A : f32 to vector<2528x1xf32>
    %max3A_14 = arith.maximumf %broadcast_in_dim3A, %max3A_13 : vector<2528x1xf32>
    %div3A = arith.constant 1.000000e+00 : f32
    %div3A_15 = vector.broadcast %div3A : f32 to vector<2528x1xf32>
    %div3A_16 = arith.divf %div3A_15, %max3A_14 : vector<2528x1xf32>
    %mul3A = vector.broadcast %div3A_16 : vector<2528x1xf32> to vector<2528x128xf32>
    %mul3A_17 = arith.mulf %add3A, %mul3A : vector<2528x128xf32>
    %get3A_18 = arith.constant 0 : index
    %get3A_19 = arith.constant 0 : index
    %get3A_20 = vector.load %arg3[%get3A_18, %get3A_19] : memref<2528x128xf32, #tpu.memory_space<vmem>>, vector<2528x128xf32>
    %add3A_21 = arith.addf %mul3A_17, %get3A_20 : vector<2528x128xf32>
    %swap3A = arith.constant 0 : index
    %swap3A_22 = arith.constant 0 : index
    %swap3A_23 = vector.load %arg4[%swap3A, %swap3A_22] : memref<2528x128xf32, #tpu.memory_space<vmem>>, vector<2528x128xf32>
    tpu.vector_store %arg4[%swap3A, %swap3A_22], %add3A_21 {strides = array<i32>} : memref<2528x128xf32, #tpu.memory_space<vmem>>, vector<2528x128xf32>,
    return
  }
  func.func @transform_0(%arg0: i32) -> (i32, i32, i32) {
    %c0_i32 = arith.constant 0 : i32
    %c0_i32_0 = arith.constant 0 : i32
    %c0_i32_1 = arith.constant 0 : i32
    return %c0_i32, %arg0, %c0_i32_0 : i32, i32, i32
  }
  func.func @transform_1(%arg0: i32) -> (i32, i32) {
    %c0_i32 = arith.constant 0 : i32
    %c0_i32_0 = arith.constant 0 : i32
    return %arg0, %c0_i32 : i32, i32
  }
  func.func @transform_2(%arg0: i32) -> (i32, i32) {
    %c0_i32 = arith.constant 0 : i32
    %c0_i32_0 = arith.constant 0 : i32
    return %arg0, %c0_i32 : i32, i32
  }
  func.func @transform_3(%arg0: i32) -> (i32, i32) {
    %c0_i32 = arith.constant 0 : i32
    %c0_i32_0 = arith.constant 0 : i32
    return %arg0, %c0_i32 : i32, i32
  }
}

</mosaic_0001>

<sc_bundles>
// kernel: kernel.6.cloned.1.call-start
scs
__scs_entry_jumppad:
0x0: {  	(pc) =	sbr.rel $0x88, $3  }
0x1: {  	(tag) =	ssettag $0x0;
	lr =	simm.s32 $0x1  }
0x2: {  	[smem:$0x3F99] =	sst lr;
	_ =	strace $0xD0000000  }
0x3: {  	_ = 	snop  }
0x4: {  	_ = 	snop  }
0x5: {  	_ = 	snop  }
0x6: {  	_ = 	snop  }
0x7: {  	_ = 	snop  }
__scs_overlays_trampoline_lowered:
0x8: {  	[smem:$0x3FA8] =	sst s0  }
0x9: {  	[smem:$0x3FA9] =	sst s1  }
0xa: {  	[smem:$0x3FAA] =	sst s2  }
0xb: {  	[smem:$0x3FAB] =	sst s3  }
0xc: {  	[smem:$0x3FAC] =	sst s4  }
0xd: {  	[smem:$0x3FAD] =	sst s5  }
0xe: {  	[smem:$0x3FAE] =	sst s6  }
0xf: {  	[smem:$0x3FAF] =	sst s7  }
0x10: {  	[smem:$0x3FB0] =	sst s8  }
0x11: {  	[smem:$0x3FB1] =	sst s9;
	s0 =	simm.s32 @!p0 $0x0  }
0x12: {  	s1 =	sld [smem:$0x3F97];
	s0 =	simm.s32 @p0 $0x1  }
0x13: {  	[smem:$0x3FB2] =	sst s0;
	s0 =	simm.s32 @!p1 $0x0  }
0x14: {  	s2 =	sld [smem:$0x3F96];
	s0 =	simm.s32 @p1 $0x1  }
0x15: {  	[smem:$0x3FB3] =	sst s0;
	s0 =	simm.s32 @!p2 $0x0  }
0x16: {  	s3 =	sld [smem:$0x3FDB];
	s0 =	simm.s32 @p2 $0x1  }
0x17: {  	s4 =	simm.s32 $0x1BF5;
	[smem:$0x3FB5] =	sst s0  }
0x18: {  	s0 =	sld [smem:$0x3F98];
	_ =	swait.ge [sflag:s4], $0x0  }
0x19: {  	s7 =	sld [smem:$0x3F99]  }
0x1a: {  	s8 =	sadd.s32 $0xFFFFE003, lr  }
0x1b: {  	s9 =	sadd.s32 $0xFFFFFEF7, lr;
	s5 =	simm.s32 $0xFFFFFFFF;
	p2 =	slt.u32 s8, $0xFFFFF086  }
0x1c: {  	p1 =	slt.u32 s9, $0xF7A;
	s5 =	simm.s32 @!p2 $0x0  }
0x1d: {  	s5 =	simm.s32 @p1 $0x1;
	p0 =	seq.s32 s7, s2  }
0x1e: {  	s7 =	smul.u32 @!p0 $0xF7A, s2;
	p2 =	seq.s32 @!p0 s5, $0x0  }
0x1f: {  	s9 =	smul.u32 $0xF7A, s1;
	s8 =	simm.s32 @!p0 $0x1BF5;
	p2 =	por !p2, p0  }
0x20: {  	[sflag:s8] =	ssyncset.s32 @!p0 $0xFFFFF086;
	s6 =	sadd.s32 @!p0 s3, s7;
	s7 =	simm.s32 @!p0 $0x108  }
0x21: {  	s3 =	sadd.s32 s3, s9;
	s6 =	sadd.s32 @!p0 $0x88, s6;
	s7 =	simm.s32 @p2 $0x1082  }
0x22: {  	[simem:s7], [sflag:s8] =	dma.local @!p0 [hbm:s6], $0xF7A  }
0x23: {  	s9 =	sor.u32 $0xD0000000, s2;
	s6 =	simm.s32 $0x108;
	_ =	swait.ge @!p0 [sflag:s8], $0x0  }
0x24: {  	s3 =	sadd.s32 $0x88, s3;
	s6 =	simm.s32 @!p1 $0x1082;
	[sflag:s4] =	ssyncset.s32 $0xFFFFF086  }
0x25: {  	[simem:s6], [sflag:s4] =	dma.local [hbm:s3], $0xF7A  }
0x26: {  	[smem:$0x3F99] =	sst s1;
	(tag) =	ssettag s2;
	_ =	strace s9  }
0x27: {  	s1 =	sld [smem:$0x3FA9]  }
0x28: {  	s2 =	sld [smem:$0x3FAA]  }
0x29: {  	s4 =	sld [smem:$0x3FAC]  }
0x2a: {  	p0 =	seq.s32 s5, $0x0;
	s5 =	sld [smem:$0x3FAD]  }
0x2b: {  	s6 =	sld [smem:$0x3FAE]  }
0x2c: {  	s7 =	sld [smem:$0x3FAF]  }
0x2d: {  	s3 =	simm.s32 $0x108;
	s8 =	sld [smem:$0x3FB0]  }
0x2e: {  	s3 =	simm.s32 @!p0 $0x1082;
	s9 =	sld [smem:$0x3FB1]  }
0x2f: {  	lr =	sadd.s32 s0, s3;
	s0 =	sld [smem:$0x3FA8]  }
0x30: {  	s3 =	sld [smem:$0x3FAB]  }
0x31: {  	[smem:$0x3FB4] =	sst s10  }
0x32: {  	s10 =	sld [smem:$0x3FB2];
	_ =	sdelay $0x3  }
0x33: {  	p0 =	seq.s32 s10, $0x1;
	s10 =	sld [smem:$0x3FB4];
	_ =	sdelay $0x3  }
0x34: {  	[smem:$0x3FB4] =	sst s10  }
0x35: {  	s10 =	sld [smem:$0x3FB3];
	_ =	sdelay $0x3  }
0x36: {  	p1 =	seq.s32 s10, $0x1;
	s10 =	sld [smem:$0x3FB4];
	_ =	sdelay $0x3  }
0x37: {  	[smem:$0x3FB4] =	sst s10  }
0x38: {  	s10 =	sld [smem:$0x3FB5]  }
0x39: {  	_ = 	snop;
	(pc) =	sbr.ind lr, $3  }
0x3a: {  	_ = 	snop  }
0x3b: {  	_ = 	snop  }
0x3c: {  	p2 =	seq.s32 s10, $0x1;
	s10 =	sld [smem:$0x3FB4]  }
0x3d: {  	_ =	shalt  }
0x3e: {  	_ =	shalt  }
0x3f: {  	_ =	shalt  }
0x40: {  	_ =	shalt  }
0x41: {  	_ =	shalt  }
0x42: {  	_ =	shalt  }
0x43: {  	_ =	shalt  }
0x44: {  	_ =	shalt  }
0x45: {  	_ =	shalt  }
0x46: {  	_ =	shalt  }
0x47: {  	_ =	shalt  }
0x48: {  	_ =	shalt  }
0x49: {  	_ =	shalt  }
0x4a: {  	_ =	shalt  }
0x4b: {  	_ =	shalt  }
0x4c: {  	_ =	shalt  }
0x4d: {  	_ =	shalt  }
0x4e: {  	_ =	shalt  }
0x4f: {  	_ =	shalt  }
0x50: {  	_ =	shalt  }
0x51: {  	_ =	shalt  }
0x52: {  	_ =	shalt  }
0x53: {  	_ =	shalt  }
0x54: {  	_ =	shalt  }
0x55: {  	_ =	shalt  }
0x56: {  	_ =	shalt  }
0x57: {  	_ =	shalt  }
0x58: {  	_ =	shalt  }
0x59: {  	_ =	shalt  }
0x5a: {  	_ =	shalt  }
0x5b: {  	_ =	shalt  }
0x5c: {  	_ =	shalt  }
0x5d: {  	_ =	shalt  }
0x5e: {  	_ =	shalt  }
0x5f: {  	_ =	shalt  }
0x60: {  	_ =	shalt  }
0x61: {  	_ =	shalt  }
0x62: {  	_ =	shalt  }
0x63: {  	_ =	shalt  }
0x64: {  	_ =	shalt  }
0x65: {  	_ =	shalt  }
0x66: {  	_ =	shalt  }
0x67: {  	_ =	shalt  }
0x68: {  	_ =	shalt  }
0x69: {  	_ =	shalt  }
0x6a: {  	_ =	shalt  }
0x6b: {  	_ =	shalt  }
0x6c: {  	_ =	shalt  }
0x6d: {  	_ =	shalt  }
0x6e: {  	_ =	shalt  }
0x6f: {  	_ =	shalt  }
0x70: {  	_ =	shalt  }
0x71: {  	_ =	shalt  }
0x72: {  	_ =	shalt  }
0x73: {  	_ =	shalt  }
0x74: {  	_ =	shalt  }
0x75: {  	_ =	shalt  }
0x76: {  	_ =	shalt  }
0x77: {  	_ =	shalt  }
0x78: {  	_ =	shalt  }
0x79: {  	_ =	shalt  }
0x7a: {  	_ =	shalt  }
0x7b: {  	_ =	shalt  }
0x7c: {  	_ =	shalt  }
0x7d: {  	_ =	shalt  }
0x7e: {  	_ =	shalt  }
0x7f: {  	_ =	shalt  }
0x80: {  	_ =	shalt  }
0x81: {  	_ =	shalt  }
0x82: {  	_ =	shalt  }
0x83: {  	_ =	shalt  }
0x84: {  	_ =	shalt  }
0x85: {  	_ =	shalt  }
0x86: {  	_ =	shalt  }
0x87: {  	_ =	shalt  }
.Lfunc_end0:
.L_simem_size_0:
called_computation_lowered:
.L_overlay_start_0:
0x88: {  	s2 =	sld [smem:$0x3FD9]  }
0x89: {  	s3 =	sld [smem:$0x3FFE];
	_ =	sdelay $0x1  }
0x8a: {  	s1 =	srdreg.scid  }
0x8b: {  	s0 =	sand.u32 $0x1, s1  }
0x8c: {  	s17 =	sshll.u32 s0, $0xA;
	s2 =	sadd.s32 s3, s2  }
0x8d: {  	s2 =	sadd.s32 s2, s17  }
0x8e: {  	[smem:$0x3FC0] =	sst s2  }
0x8f: {  	_ = 	snop  }
0x90: {  	s2 =	sld [smem:$0x3FD0];
	(tm) =	ssettm $0x1  }
0x91: {  	s18 =	sld [smem:$0x3FFB];
	_ =	sdelay $0x3  }
0x92: {  	_ =	strace s18  }
0x93: {  	s3 =	sld [smem:$0x3FFC];
	_ =	sdelay $0x3  }
0x94: {  	_ =	strace s3  }
0x95: {  	s3 =	sld [smem:$0x3FFD];
	_ =	sdelay $0x3  }
0x96: {  	_ =	strace s3  }
0x97: {  	_ =	strace $0x8FFFFFFF  }
0x98: {  	s19 =	sld [smem:$0x3FDB];
	_ =	sdelay $0x1  }
0x99: {  	s4 =	simm.s32 $_scs_section_size  }
0x9a: {  	s5 =	simm.s32 $_size__tile_overlayer_lowered;
	s6 =	simm.s32 $_tile_overlayer_lowered  }
0x9b: {  	s22 =	simm.s32 $0x1BFF;
	s21 =	sshll.u32 s6, $0x1;
	s3 =	sadd.s32 s4, s19  }
0x9c: {  	s7 =	simm.s32 $0x0;
	s20 =	sshll.u32 s5, $0x1;
	s5 =	sadd.s32 s21, s3  }
0x9d: {  	[timem:s7], [sflag:s22] =	dma.local [hbm:s5], s20  }
0x9e: {  	_ =	swait.ge [sflag:s22], s20  }
0x9f: {  	s4 =	ssub.s32 $0x0, s20;
	[sflag:s22] =	ssyncset.done $0x0  }
0xa0: {  	[sflag:s22] =	ssyncadd.s32 s4;
	_ =	sdelay $0x1  }
0xa1: {  	s23 =	simm.s32 $0x1B8B  }
0xa2: {  	_ =	swait.ge [sflag:s23], $0x1  }
0xa3: {  	[sflag:s23] =	ssyncset.done $0x0  }
0xa4: {  	s25 =	simm.s32 $0x1B8E;
	s24 =	sld [smem:$0x3FFE];
	[sflag:s23] =	ssyncadd.s32 $0xFFFFFFFF  }
0xa5: {  	s26 =	simm.s32 $execute0_lowered;
	[smem:$0x3FD2] =	sst s25  }
0xa6: {  	s5 =	sshll.u32 s26, $0x1;
	_ =	strace $0x80000046;
	[dreg:$0x1] =	wrdreg $0xFFFFFFFF  }
0xa7: {  	s28 =	simm.s32 $_size_execute0_lowered;
	s3 =	sadd.s32 s3, s5;
	[dreg:$0x0] =	wrdreg $0x0  }
0xa8: {  	s5 =	sshll.u32 s28, $0x1;
	[dreg:$0x2] =	wrdreg s3  }
0xa9: {  	[dreg:$0x3] =	wrdreg s5  }
0xaa: {  	[dreg:$0x4] =	wrdreg $0xC0  }
0xab: {  	_ =	task [dreg:s7], $0x5FFFF  }
0xac: {  	[dreg:$0x1] =	wrdreg $0xFFFFFFFF  }
0xad: {  	[dreg:$0x0] =	wrdreg $0x60  }
0xae: {  	[dreg:$0x2] =	wrdreg s24  }
0xaf: {  	[dreg:$0x3] =	wrdreg s2  }
0xb0: {  	[dreg:$0x4] =	wrdreg $0x0  }
0xb1: {  	[dreg:$0x5] =	wrdreg $0x9  }
0xb2: {  	_ =	task.clear_ibuf [dreg:s7], $0x6FFFF;
	_ =	strace $0x90000046  }
0xb3: {  	s29 =	simm.s32 $0x9;
	_ =	strace $0x80000048  }
0xb4: {  	_ =	swait.ge [sflag:s29], $0x1  }
0xb5: {  	[sflag:s29] =	ssyncadd.s32 $0xFFFFFFFF  }
0xb6: {  	_ =	strace $0x90000048  }
0xb7: {  	_ =	sfence  }
0xb8: {  	s30 =	sld [smem:$0x0];
	_ =	sdelay $0x2  }
0xb9: {  	s31 =	sshll.u32 s1, $0xD;
	s1 =	sshrl.u32 s1, $0x2  }
0xba: {  	s3 =	sand.u32 $0x4000, s31;
	s1 =	sadd.s32 s1, s30  }
0xbb: {  	s0 =	sor.u32 s3, s0;
	s1 =	sshll.u32 s1, $0x11  }
0xbc: {  	s0 =	sor.u32 s1, s0  }
0xbd: {  	s0 =	sadd.s32 $0x8F2B, s0  }
0xbe: {  	[sflag:s0] =	ssyncadd.remote.s32 $0x1  }
0xbf: {  	_ =	sfence.sel $0xFFFF  }
0xc0: {  	[dreg:$0x0] =	wrdreg $0xFFFFFFFF;
	(pc) =	sbr.abs _section_cstart, $3  }
0xc1: {  	[dreg:$0x1] =	wrdreg $0xFFFFFFFF  }
0xc2: {  	_ =	task.clear_ibuf [dreg:s7], $0x2FFFF;
	_ =	strace $0x9FFFFFFF  }
0xc3: {  	(tm) =	ssettm $0x7FFFFFFF  }
tec
execute0_lowered:
.L_overlay_start_1:
0x0: {  	(tag) =	ssettag $0x1  }
0x1: {  	s0 =	rddreg [dreg:$0x0]  }
0x2: {  	s1 =	rddreg [dreg:$0x1]  }
0x3: {  	s2 =	rddreg [dreg:$0x2]  }
0x4: {  	s3 =	simm.s32 $0x0;
	s4 =	srdreg.scid;
	s14 =	stileid.u32  }
0x5: {  	s16 =	simm.s32 $0x4;
	s17 =	simm.s32 $0x13C00;
	s19 =	simm.s32 $0x40  }
0x6: {  	s29 =	simm.s32 $0x0;
	[smem:$0x7FF] =	sst s3;
	s4 =	sand.u32 $0x1, s4  }
0x7: {  	s5 =	sadd.s32 $0xBE00, s0;
	s7 =	smul.u32 $0x13C00, s14;
	s12 =	sshll.u32 s14, $0x7  }
0x8: {  	s24 =	smul.u32 $0x4F000, s14;
	s30 =	sshll.u32 s14, $0x6;
	_ =	strace $0x80000047  }
0x9: {  	s6 =	sshll.u32 s4, $0x4;
	s9 =	smul.u32 $0x13C000, s4;
	s23 =	sand.u32 $0x380, s12  }
0xa: {  	s4 =	ssub.s32 $0x2, s4;
	s8 =	sor.u32 s14, s6;
	s6 =	sadd.s32 $0x1E00, s0  }
0xb: {  	s11 =	sshrl.u32 s7, $0x3;
	s28 =	sshrl.u32 s4, $0x1;
	s10 =	sshrl.u32 s8, $0x3  }
0xc: {  	s11 =	sadd.s32 s11, s0;
	s7 =	sadd.s32 s7, s9;
	s13 =	smul.u32 $0x2800, s8  }
0xd: {  	s4 =	ssub.s32 s4, s28;
	s8 =	sor.u32 $0x1C04, s30;
	s7 =	sshrl.u32 s7, $0x3  }
0xe: {  	s10 =	smul.u32 $0x13C00, s10;
	s14 =	smax.u32 s4, $0x1;
	s25 =	sadd.s32 s7, s0  }
0xf: {  	s7 =	sadd.s32 $0x33600, s11;
	s31 =	sshrl.u32 s13, $0x3;
	s11 =	sor.u32 $0x400, s13  }
.Ltmp0:
0x10: {  	s9 =	sor.u32 s23, s10;
	s10 =	sshrl.u32 s24, $0x2;
	(pc) =	sbr.rel .LBB2_1-.Ltmp0, $4  }
0x11: {  	s12 =	sadd.s32 $0x64C00, s25;
	s23 =	simm.s32 $0x1CC00;
	s24 =	simm.s32 $0x1  }
0x12: {  	s25 =	simm.s32 $0x80;
	s26 =	sshrl.u32 s9, $0x3;
	s15 =	sadd.s32 s10, s2  }
0x13: {  	s9 =	sadd.s32 s1, s31;
	s10 =	sadd.s32 s6, s31;
	s0 =	sadd.s32 s26, s0  }
0x14: {  	v0 =	vimm.f32 $0.0e+00;
	v1 =	vimm.f32 $1.000000000e+00;
	s15 =	sshrl.u32 s15, $0x3;
	s26 =	simm.s32 $0x3;
	s13 =	sadd.s32 $0x5AE00, s0  }
.LBB2_10:
0x15: {  	_ =	swait.ge [sflag:s26], $0x4000  }
0x16: {  	[sflag:s26] =	ssyncset.done $0x0  }
0x17: {  	[sflag:s26] =	ssyncadd.s32 $0xFFFFC000  }
0x18: {  	[bflag:$0x0] =	sbarrier.arrive $0xFFFF  }
0x19: {  	[hbm:s12], [sflag:s8] =	dma.local [spmem:s15], $0x2780  }
0x1a: {  	s29 =	sadd.s32 $0x1, s29;
	_ =	swait.ge [sflag:s16], $0x2780  }
0x1b: {  	p0 =	sne.s32 s29, s14;
	[sflag:s16] =	ssyncset.done $0x0  }
.Ltmp1:
0x1c: {  	s0 =	simm.s32 $0x400;
	[sflag:s16] =	ssyncadd.s32 $0xFFFFD880;
	(pc) =	sbr.rel @!p0 .LBB2_11-.Ltmp1, $4  }
0x1d: {  	[hbm4b:s13+s25] =	stream.strided.scatter [tilespmem:s23], [sflag:$0x4], $0x2780, s0, s25, $0x38;
	[tilespmem:$0x1F380] =	vst v63  }
0x1e: {  	_ =	swait.ge [sflag:s16], $0x2780  }
0x1f: {  	[sflag:s16] =	ssyncset.done $0x0  }
0x20: {  	[sflag:s16] =	ssyncadd.s32 $0xFFFFD880  }
.LBB2_1:
0x21: {  	[spmem:s15], [sflag:s8] =	dma.local [hbm:s7], $0x2780  }
0x22: {  	_ =	swait.ge [sflag:s16], $0x2780  }
0x23: {  	[sflag:s16] =	ssyncset.done $0x0  }
0x24: {  	s0 =	simm.s32 $0x40;
	s4 =	simm.s32 $0x0;
	[sflag:s16] =	ssyncadd.s32 $0xFFFFD880  }
.LBB2_2:
0x25: {  	p0 =	sne.s32 s0, $0x9DC0;
	[tilespmem:s4+$0x1CC00] =	vst v0;
	s4 =	smov.u32 s0;
	s0 =	sadd.s32 $0x40, s0  }
.Ltmp2:
0x26: {  	(pc) =	sbr.rel @p0 .LBB2_2-.Ltmp2, $2  }
0x27: {  	_ =	sdelay $0x2  }
0x28: {  	s4 =	sshra.s32 s4, $0x2  }
0x29: {  	[tilespmem:s4+$0x1CC00] =	vst v0;
	s30 =	simm.s32 $0x0  }
0x2a: {  	[tilespmem:s17], [sflag:$0x4] =	stream.linear.gather [hbm4b:s9+s30], $0x400, $0x38;
	[tilespmem:$0x1F380] =	vst v63  }
0x2b: {  	_ =	swait.ge [sflag:s16], $0x400  }
0x2c: {  	[sflag:s16] =	ssyncset.done $0x0  }
0x2d: {  	s0 =	simm.s32 $0x14400;
	[sflag:s16] =	ssyncadd.s32 $0xFFFFFC00  }
0x2e: {  	[tilespmem:s0], [sflag:$0x4] =	stream.linear.gather [hbm4b:s10+s30], $0x400, $0x38;
	[tilespmem:$0x1F380] =	vst v63  }
0x2f: {  	_ =	swait.ge [sflag:s16], $0x400  }
0x30: {  	[sflag:s16] =	ssyncset.done $0x0  }
0x31: {  	s21 =	simm.s32 $0x14C00;
	[sflag:s16] =	ssyncadd.s32 $0xFFFFFC00  }
0x32: {  	[tilespmem:s21], [sflag:$0x1] =	stream.indirect.gather [hbm4b:s5+s19], $0x80, s17, s19, $0xb8;
	[tilespmem:$0x1F380] =	vst v63  }
.Ltmp3:
0x33: {  	_ = 	snop;
	(pc) =	sbr.rel .LBB2_4-.Ltmp3, $4  }
0x34: {  	s22 =	simm.s32 $0x13C40;
	s28 =	simm.s32 $0x16C00  }
0x35: {  	[tilespmem:s28], [sflag:$0x1] =	stream.indirect.gather [hbm4b:s5+s19], $0x80, s22, s19, $0xb8;
	[tilespmem:$0x1F380] =	vst v63  }
0x36: {  	[bflag:$0x0] =	sbarrier.arrive $0xFFFF  }
0x37: {  	s31 =	simm.s32 $0x80  }
.LBB2_8:
0x38: {  	s20 =	sshll.u32 s0, $0xE  }
0x39: {  	s22 =	sand.u32 $0x780, s31;
	s21 =	sxor.u32 $0x4000, s20  }
0x3a: {  	s28 =	sadd.s32 $0x13C00, s22;
	s21 =	sadd.s32 $0x14C00, s21  }
0x3b: {  	[tilespmem:s21], [sflag:$0x1] =	stream.indirect.gather [hbm4b:s5+s19], $0x80, s28, s19, $0xb8;
	[tilespmem:$0x1F380] =	vst v63  }
0x3c: {  	s20 =	ssub.s32 $0x1AC00, s20;
	s28 =	sadd.s32 $0x13C40, s22  }
0x3d: {  	[tilespmem:s20], [sflag:$0x1] =	stream.indirect.gather [hbm4b:s5+s19], $0x80, s28, s19, $0xb8;
	[tilespmem:$0x1F380] =	vst v63  }
.LBB2_9:
0x3e: {  	s4 =	sshll.u32 s4, $0x7  }
0x3f: {  	s4 =	sor.u32 s4, s18  }
0x40: {  	v2 =	vld [tilespmem:s4+$0x14400];
	_ =	sdelay $0x7  }
0x41: {  	s4 =	sadd.s32 $0x14400, s4;
	[tilespmem:v2+s23+$0x0] =	vst.idx.add.f32.msk $0xffff, v1  }
0x42: {  	v2 =	vld [tilespmem:s4+$0x10];
	_ =	sdelay $0x7  }
0x43: {  	[tilespmem:v2+s23+$0x0] =	vst.idx.add.f32.msk $0xffff, v1  }
0x44: {  	v2 =	vld [tilespmem:s4+$0x20];
	_ =	sdelay $0x7  }
0x45: {  	[tilespmem:v2+s23+$0x0] =	vst.idx.add.f32.msk $0xffff, v1  }
0x46: {  	v2 =	vld [tilespmem:s4+$0x30];
	_ =	sdelay $0x7  }
0x47: {  	[tilespmem:v2+s23+$0x0] =	vst.idx.add.f32.msk $0xffff, v1  }
0x48: {  	v2 =	vld [tilespmem:s4+$0x40];
	_ =	sdelay $0x7  }
0x49: {  	[tilespmem:v2+s23+$0x0] =	vst.idx.add.f32.msk $0xffff, v1  }
0x4a: {  	v2 =	vld [tilespmem:s4+$0x50];
	_ =	sdelay $0x7  }
0x4b: {  	[tilespmem:v2+s23+$0x0] =	vst.idx.add.f32.msk $0xffff, v1  }
0x4c: {  	v2 =	vld [tilespmem:s4+$0x60];
	_ =	sdelay $0x7  }
0x4d: {  	[tilespmem:v2+s23+$0x0] =	vst.idx.add.f32.msk $0xffff, v1  }
0x4e: {  	v2 =	vld [tilespmem:s4+$0x70];
	_ =	sdelay $0x7  }
0x4f: {  	[tilespmem:v2+s23+$0x0] =	vst.idx.add.f32.msk $0xffff, v1  }
0x50: {  	s30 =	sadd.s32 $0x1, s30;
	_ =	swait.ge [sflag:s24], $0x2000  }
0x51: {  	p0 =	sne.s32 s30, $0x50;
	[sflag:s24] =	ssyncset.done $0x0  }
.Ltmp4:
0x52: {  	[sflag:s24] =	ssyncadd.s32 $0xFFFFE000;
	(pc) =	sbr.rel @!p0 .LBB2_10-.Ltmp4, $4  }
0x53: {  	_ =	swait.ge [sflag:s24], $0x2000  }
0x54: {  	s0 =	sshll.u32 s0, $0xE;
	[sflag:s24] =	ssyncset.done $0x0  }
0x55: {  	s31 =	sadd.s32 $0x80, s31;
	s0 =	sadd.s32 $0x14C00, s0;
	[sflag:s24] =	ssyncadd.s32 $0xFFFFE000  }
0x56: {  	[spmem:s2] =	stream.indirect.scatter.add.f32 [tilespmem:s0], [sflag:$0x3], $0x80, s4, s25, $0xb8;
	[tilespmem:$0x1F380] =	vst v63  }
.LBB2_4:
0x57: {  	s4 =	sand.u32 $0x7, s30;
	p0 =	sgt.u32 s30, $0x47  }
0x58: {  	p1 =	seq.s32 @!p0 s4, $0x0  }
0x59: {  	p1 =	por p0, !p1  }
.Ltmp5:
0x5a: {  	_ = 	snop;
	(pc) =	sbr.rel @p1 .LBB2_5-.Ltmp5, $4  }
0x5b: {  	_ = 	snop  }
0x5c: {  	s20 =	sshrl.u32 s30, $0x3  }
0x5d: {  	s18 =	sand.u32 $0x1, s20  }
0x5e: {  	s0 =	sand.u32 $0x1, s30;
	s18 =	sshll.u32 s18, $0xA  }
0x5f: {  	s20 =	sshll.u32 s20, $0xA  }
0x60: {  	p0 =	seq.s32 s30, $0x0;
	s20 =	sadd.s32 s20, s11  }
.Ltmp6:
0x61: {  	s21 =	sxor.u32 $0x400, s18;
	s20 =	sshrl.u32 s20, $0x3;
	(pc) =	sbr.rel @!p0 .LBB2_7-.Ltmp6, $4  }
.Ltmp7:
0x62: {  	s22 =	sadd.s32 $0x13C00, s21;
	s28 =	sadd.s32 s1, s20;
	(pc) =	sbr.rel @p0 .LBB2_8-.Ltmp7, $4  }
0x63: {  	[tilespmem:s22], [sflag:$0x2] =	stream.linear.gather [hbm4b:s28+s3], $0x400, $0x38;
	[tilespmem:$0x1F380] =	vst v63  }
0x64: {  	s21 =	sadd.s32 $0x14400, s21;
	s20 =	sadd.s32 s6, s20  }
0x65: {  	[tilespmem:s21], [sflag:$0x2] =	stream.linear.gather [hbm4b:s20+s3], $0x400, $0x38;
	[tilespmem:$0x1F380] =	vst v63  }
0x66: {  	_ = 	snop  }
.LBB2_5:
0x67: {  	p1 =	sne.s32 @!p0 s4, $0x7  }
0x68: {  	p0 =	por p1, p0  }
0x69: {  	s20 =	simm.s32 @!p0 $0x2  }
0x6a: {  	_ =	swait.ge @!p0 [sflag:s20], $0x400  }
0x6b: {  	[sflag:s20] =	ssyncset.done @!p0 $0x0  }
0x6c: {  	[sflag:s20] =	ssyncadd.s32 @!p0 $0xFFFFFC00  }
0x6d: {  	_ =	swait.ge @!p0 [sflag:s20], $0x400  }
0x6e: {  	[sflag:s20] =	ssyncset.done @!p0 $0x0  }
0x6f: {  	[sflag:s20] =	ssyncadd.s32 @!p0 $0xFFFFFC00  }
.LBB2_7:
0x70: {  	p0 =	seq.s32 s30, $0x4F  }
.Ltmp8:
0x71: {  	_ = 	snop;
	(pc) =	sbr.rel @p0 .LBB2_9-.Ltmp8, $4  }
.Ltmp9:
0x72: {  	_ = 	snop;
	(pc) =	sbr.rel @!p0 .LBB2_8-.Ltmp9, $4  }
0x73: {  	_ =	swait.ge [sflag:s26], $0x4000  }
0x74: {  	[sflag:s26] =	ssyncset.done $0x0  }
0x75: {  	[sflag:s26] =	ssyncadd.s32 $0xFFFFC000  }
0x76: {  	_ = 	snop  }
.LBB2_11:
0x77: {  	_ =	sfence.sel $0x180000  }
0x78: {  	[bflag:$0x0] =	sbarrier.arrive $0xFFFF  }
0x79: {  	_ =	strace $0x90000047  }
0x7a: {  	s0 =	stileid.u32;
	[bflag:$0x2] =	sbarrier.arrive $0xFFFF  }
0x7b: {  	p0 =	sne.s32 s0, $0x0;
	s0 =	rddreg [dreg:$0x3]  }
0x7c: {  	s0 =	sadd.s32 @!p0 $0x100000, s0  }
0x7d: {  	[sflag:s0] =	ssyncadd.tile.s32 @!p0 $0x1;
	_ =	shalt  }
.Lfunc_end2:
_tile_overlayer_lowered:
.L_overlay_start_2:
0x7e: {  	(tag) =	ssettag $0x2  }
0x7f: {  	s0 =	rddreg [dreg:$0x0];
	s2 =	stileid.u32  }
0x80: {  	s1 =	rddreg [dreg:$0x1];
	p0 =	sne.s32 s2, $0x0  }
0x81: {  	s3 =	rddreg [dreg:$0x2];
	[bflag:$0x3] =	sbarrier.arrive $0xFFFF;
	s2 =	simm.s32 @!p0 $0x1C04  }
0x82: {  	[timem:s3], [sflag:s2] =	dma.local @!p0 [hbm:s0], s1  }
0x83: {  	s0 =	simm.s32 @!p0 $0x4  }
0x84: {  	_ =	swait.ge @!p0 [sflag:s0], s1  }
0x85: {  	s1 =	ssub.s32 @!p0 $0x0, s1;
	[sflag:s0] =	ssyncset.done @!p0 $0x0  }
0x86: {  	[sflag:s0] =	ssyncadd.s32 @!p0 s1  }
0x87: {  	[bflag:$0x3] =	sbarrier.arrive $0xFFFF  }
0x88: {  	_ =	shalt  }

// kernel: kernel.9.cloned.1.call-start
scs
__scs_entry_jumppad:
0x0: {  	(pc) =	sbr.rel $0x88, $3  }
0x1: {  	(tag) =	ssettag $0x0;
	lr =	simm.s32 $0x1  }
0x2: {  	[smem:$0x3F99] =	sst lr;
	_ =	strace $0xD0000000  }
0x3: {  	_ = 	snop  }
0x4: {  	_ = 	snop  }
0x5: {  	_ = 	snop  }
0x6: {  	_ = 	snop  }
0x7: {  	_ = 	snop  }
__scs_overlays_trampoline_lowered:
0x8: {  	[smem:$0x3FA8] =	sst s0  }
0x9: {  	[smem:$0x3FA9] =	sst s1  }
0xa: {  	[smem:$0x3FAA] =	sst s2  }
0xb: {  	[smem:$0x3FAB] =	sst s3  }
0xc: {  	[smem:$0x3FAC] =	sst s4  }
0xd: {  	[smem:$0x3FAD] =	sst s5  }
0xe: {  	[smem:$0x3FAE] =	sst s6  }
0xf: {  	[smem:$0x3FAF] =	sst s7  }
0x10: {  	[smem:$0x3FB0] =	sst s8  }
0x11: {  	[smem:$0x3FB1] =	sst s9;
	s0 =	simm.s32 @!p0 $0x0  }
0x12: {  	s1 =	sld [smem:$0x3F97];
	s0 =	simm.s32 @p0 $0x1  }
0x13: {  	[smem:$0x3FB2] =	sst s0;
	s0 =	simm.s32 @!p1 $0x0  }
0x14: {  	s2 =	sld [smem:$0x3F96];
	s0 =	simm.s32 @p1 $0x1  }
0x15: {  	[smem:$0x3FB3] =	sst s0;
	s0 =	simm.s32 @!p2 $0x0  }
0x16: {  	s3 =	sld [smem:$0x3FDB];
	s0 =	simm.s32 @p2 $0x1  }
0x17: {  	s4 =	simm.s32 $0x1BF5;
	[smem:$0x3FB5] =	sst s0  }
0x18: {  	s0 =	sld [smem:$0x3F98];
	_ =	swait.ge [sflag:s4], $0x0  }
0x19: {  	s7 =	sld [smem:$0x3F99]  }
0x1a: {  	s8 =	sadd.s32 $0xFFFFE003, lr  }
0x1b: {  	s9 =	sadd.s32 $0xFFFFFEF7, lr;
	s5 =	simm.s32 $0xFFFFFFFF;
	p2 =	slt.u32 s8, $0xFFFFF086  }
0x1c: {  	p1 =	slt.u32 s9, $0xF7A;
	s5 =	simm.s32 @!p2 $0x0  }
0x1d: {  	s5 =	simm.s32 @p1 $0x1;
	p0 =	seq.s32 s7, s2  }
0x1e: {  	s7 =	smul.u32 @!p0 $0xF7A, s2;
	p2 =	seq.s32 @!p0 s5, $0x0  }
0x1f: {  	s9 =	smul.u32 $0xF7A, s1;
	s8 =	simm.s32 @!p0 $0x1BF5;
	p2 =	por !p2, p0  }
0x20: {  	[sflag:s8] =	ssyncset.s32 @!p0 $0xFFFFF086;
	s6 =	sadd.s32 @!p0 s3, s7;
	s7 =	simm.s32 @!p0 $0x108  }
0x21: {  	s3 =	sadd.s32 s3, s9;
	s6 =	sadd.s32 @!p0 $0x88, s6;
	s7 =	simm.s32 @p2 $0x1082  }
0x22: {  	[simem:s7], [sflag:s8] =	dma.local @!p0 [hbm:s6], $0xF7A  }
0x23: {  	s9 =	sor.u32 $0xD0000000, s2;
	s6 =	simm.s32 $0x108;
	_ =	swait.ge @!p0 [sflag:s8], $0x0  }
0x24: {  	s3 =	sadd.s32 $0x88, s3;
	s6 =	simm.s32 @!p1 $0x1082;
	[sflag:s4] =	ssyncset.s32 $0xFFFFF086  }
0x25: {  	[simem:s6], [sflag:s4] =	dma.local [hbm:s3], $0xF7A  }
0x26: {  	[smem:$0x3F99] =	sst s1;
	(tag) =	ssettag s2;
	_ =	strace s9  }
0x27: {  	s1 =	sld [smem:$0x3FA9]  }
0x28: {  	s2 =	sld [smem:$0x3FAA]  }
0x29: {  	s4 =	sld [smem:$0x3FAC]  }
0x2a: {  	p0 =	seq.s32 s5, $0x0;
	s5 =	sld [smem:$0x3FAD]  }
0x2b: {  	s6 =	sld [smem:$0x3FAE]  }
0x2c: {  	s7 =	sld [smem:$0x3FAF]  }
0x2d: {  	s3 =	simm.s32 $0x108;
	s8 =	sld [smem:$0x3FB0]  }
0x2e: {  	s3 =	simm.s32 @!p0 $0x1082;
	s9 =	sld [smem:$0x3FB1]  }
0x2f: {  	lr =	sadd.s32 s0, s3;
	s0 =	sld [smem:$0x3FA8]  }
0x30: {  	s3 =	sld [smem:$0x3FAB]  }
0x31: {  	[smem:$0x3FB4] =	sst s10  }
0x32: {  	s10 =	sld [smem:$0x3FB2];
	_ =	sdelay $0x3  }
0x33: {  	p0 =	seq.s32 s10, $0x1;
	s10 =	sld [smem:$0x3FB4];
	_ =	sdelay $0x3  }
0x34: {  	[smem:$0x3FB4] =	sst s10  }
0x35: {  	s10 =	sld [smem:$0x3FB3];
	_ =	sdelay $0x3  }
0x36: {  	p1 =	seq.s32 s10, $0x1;
	s10 =	sld [smem:$0x3FB4];
	_ =	sdelay $0x3  }
0x37: {  	[smem:$0x3FB4] =	sst s10  }
0x38: {  	s10 =	sld [smem:$0x3FB5]  }
0x39: {  	_ = 	snop;
	(pc) =	sbr.ind lr, $3  }
0x3a: {  	_ = 	snop  }
0x3b: {  	_ = 	snop  }
0x3c: {  	p2 =	seq.s32 s10, $0x1;
	s10 =	sld [smem:$0x3FB4]  }
0x3d: {  	_ =	shalt  }
0x3e: {  	_ =	shalt  }
0x3f: {  	_ =	shalt  }
0x40: {  	_ =	shalt  }
0x41: {  	_ =	shalt  }
0x42: {  	_ =	shalt  }
0x43: {  	_ =	shalt  }
0x44: {  	_ =	shalt  }
0x45: {  	_ =	shalt  }
0x46: {  	_ =	shalt  }
0x47: {  	_ =	shalt  }
0x48: {  	_ =	shalt  }
0x49: {  	_ =	shalt  }
0x4a: {  	_ =	shalt  }
0x4b: {  	_ =	shalt  }
0x4c: {  	_ =	shalt  }
0x4d: {  	_ =	shalt  }
0x4e: {  	_ =	shalt  }
0x4f: {  	_ =	shalt  }
0x50: {  	_ =	shalt  }
0x51: {  	_ =	shalt  }
0x52: {  	_ =	shalt  }
0x53: {  	_ =	shalt  }
0x54: {  	_ =	shalt  }
0x55: {  	_ =	shalt  }
0x56: {  	_ =	shalt  }
0x57: {  	_ =	shalt  }
0x58: {  	_ =	shalt  }
0x59: {  	_ =	shalt  }
0x5a: {  	_ =	shalt  }
0x5b: {  	_ =	shalt  }
0x5c: {  	_ =	shalt  }
0x5d: {  	_ =	shalt  }
0x5e: {  	_ =	shalt  }
0x5f: {  	_ =	shalt  }
0x60: {  	_ =	shalt  }
0x61: {  	_ =	shalt  }
0x62: {  	_ =	shalt  }
0x63: {  	_ =	shalt  }
0x64: {  	_ =	shalt  }
0x65: {  	_ =	shalt  }
0x66: {  	_ =	shalt  }
0x67: {  	_ =	shalt  }
0x68: {  	_ =	shalt  }
0x69: {  	_ =	shalt  }
0x6a: {  	_ =	shalt  }
0x6b: {  	_ =	shalt  }
0x6c: {  	_ =	shalt  }
0x6d: {  	_ =	shalt  }
0x6e: {  	_ =	shalt  }
0x6f: {  	_ =	shalt  }
0x70: {  	_ =	shalt  }
0x71: {  	_ =	shalt  }
0x72: {  	_ =	shalt  }
0x73: {  	_ =	shalt  }
0x74: {  	_ =	shalt  }
0x75: {  	_ =	shalt  }
0x76: {  	_ =	shalt  }
0x77: {  	_ =	shalt  }
0x78: {  	_ =	shalt  }
0x79: {  	_ =	shalt  }
0x7a: {  	_ =	shalt  }
0x7b: {  	_ =	shalt  }
0x7c: {  	_ =	shalt  }
0x7d: {  	_ =	shalt  }
0x7e: {  	_ =	shalt  }
0x7f: {  	_ =	shalt  }
0x80: {  	_ =	shalt  }
0x81: {  	_ =	shalt  }
0x82: {  	_ =	shalt  }
0x83: {  	_ =	shalt  }
0x84: {  	_ =	shalt  }
0x85: {  	_ =	shalt  }
0x86: {  	_ =	shalt  }
0x87: {  	_ =	shalt  }
.Lfunc_end0:
.L_simem_size_0:
called_computation.1_lowered:
.L_overlay_start_0:
0x88: {  	s2 =	sld [smem:$0x3FD9]  }
0x89: {  	s3 =	sld [smem:$0x3FFE];
	_ =	sdelay $0x1  }
0x8a: {  	s1 =	srdreg.scid  }
0x8b: {  	s0 =	sand.u32 $0x1, s1  }
0x8c: {  	s17 =	sshll.u32 s0, $0xA;
	s2 =	sadd.s32 s3, s2  }
0x8d: {  	s2 =	sadd.s32 s2, s17  }
0x8e: {  	[smem:$0x3FC0] =	sst s2  }
0x8f: {  	_ = 	snop  }
0x90: {  	s2 =	sld [smem:$0x3FD0];
	(tm) =	ssettm $0x1  }
0x91: {  	s18 =	sld [smem:$0x3FFB];
	_ =	sdelay $0x3  }
0x92: {  	_ =	strace s18  }
0x93: {  	s3 =	sld [smem:$0x3FFC];
	_ =	sdelay $0x3  }
0x94: {  	_ =	strace s3  }
0x95: {  	s3 =	sld [smem:$0x3FFD];
	_ =	sdelay $0x3  }
0x96: {  	_ =	strace s3  }
0x97: {  	_ =	strace $0x8FFFFFFF  }
0x98: {  	s19 =	sld [smem:$0x3FDB];
	_ =	sdelay $0x1  }
0x99: {  	s4 =	simm.s32 $_scs_section_size  }
0x9a: {  	s5 =	simm.s32 $_size__tile_overlayer_lowered;
	s6 =	simm.s32 $_tile_overlayer_lowered  }
0x9b: {  	s22 =	simm.s32 $0x1BFF;
	s21 =	sshll.u32 s6, $0x1;
	s3 =	sadd.s32 s4, s19  }
0x9c: {  	s7 =	simm.s32 $0x0;
	s20 =	sshll.u32 s5, $0x1;
	s5 =	sadd.s32 s21, s3  }
0x9d: {  	[timem:s7], [sflag:s22] =	dma.local [hbm:s5], s20  }
0x9e: {  	_ =	swait.ge [sflag:s22], s20  }
0x9f: {  	s4 =	ssub.s32 $0x0, s20;
	[sflag:s22] =	ssyncset.done $0x0  }
0xa0: {  	[sflag:s22] =	ssyncadd.s32 s4;
	_ =	sdelay $0x1  }
0xa1: {  	s23 =	simm.s32 $0x1B8B  }
0xa2: {  	_ =	swait.ge [sflag:s23], $0x1  }
0xa3: {  	[sflag:s23] =	ssyncset.done $0x0  }
0xa4: {  	s25 =	simm.s32 $0x1B8E;
	s24 =	sld [smem:$0x3FFE];
	[sflag:s23] =	ssyncadd.s32 $0xFFFFFFFF  }
0xa5: {  	s26 =	simm.s32 $execute0_lowered;
	[smem:$0x3FD2] =	sst s25  }
0xa6: {  	s5 =	sshll.u32 s26, $0x1;
	_ =	strace $0x80000049;
	[dreg:$0x1] =	wrdreg $0xFFFFFFFF  }
0xa7: {  	s28 =	simm.s32 $_size_execute0_lowered;
	s3 =	sadd.s32 s3, s5;
	[dreg:$0x0] =	wrdreg $0x0  }
0xa8: {  	s5 =	sshll.u32 s28, $0x1;
	[dreg:$0x2] =	wrdreg s3  }
0xa9: {  	[dreg:$0x3] =	wrdreg s5  }
0xaa: {  	[dreg:$0x4] =	wrdreg $0xC0  }
0xab: {  	_ =	task [dreg:s7], $0x5FFFF  }
0xac: {  	[dreg:$0x1] =	wrdreg $0xFFFFFFFF  }
0xad: {  	[dreg:$0x0] =	wrdreg $0x60  }
0xae: {  	[dreg:$0x2] =	wrdreg s24  }
0xaf: {  	[dreg:$0x3] =	wrdreg s2  }
0xb0: {  	[dreg:$0x4] =	wrdreg $0x0  }
0xb1: {  	[dreg:$0x5] =	wrdreg $0x9  }
0xb2: {  	_ =	task.clear_ibuf [dreg:s7], $0x6FFFF;
	_ =	strace $0x90000049  }
0xb3: {  	s29 =	simm.s32 $0x9;
	_ =	strace $0x8000004B  }
0xb4: {  	_ =	swait.ge [sflag:s29], $0x1  }
0xb5: {  	[sflag:s29] =	ssyncadd.s32 $0xFFFFFFFF  }
0xb6: {  	_ =	strace $0x9000004B  }
0xb7: {  	_ =	sfence  }
0xb8: {  	s30 =	sld [smem:$0x0];
	_ =	sdelay $0x2  }
0xb9: {  	s31 =	sshll.u32 s1, $0xD;
	s1 =	sshrl.u32 s1, $0x2  }
0xba: {  	s3 =	sand.u32 $0x4000, s31;
	s1 =	sadd.s32 s1, s30  }
0xbb: {  	s0 =	sor.u32 s3, s0;
	s1 =	sshll.u32 s1, $0x11  }
0xbc: {  	s0 =	sor.u32 s1, s0  }
0xbd: {  	s0 =	sadd.s32 $0x8F2B, s0  }
0xbe: {  	[sflag:s0] =	ssyncadd.remote.s32 $0x1  }
0xbf: {  	_ =	sfence.sel $0xFFFF  }
0xc0: {  	[dreg:$0x0] =	wrdreg $0xFFFFFFFF;
	(pc) =	sbr.abs _section_cstart, $3  }
0xc1: {  	[dreg:$0x1] =	wrdreg $0xFFFFFFFF  }
0xc2: {  	_ =	task.clear_ibuf [dreg:s7], $0x2FFFF;
	_ =	strace $0x9FFFFFFF  }
0xc3: {  	(tm) =	ssettm $0x7FFFFFFF  }
tec
execute0_lowered:
.L_overlay_start_1:
0x0: {  	(tag) =	ssettag $0x1  }
0x1: {  	s0 =	rddreg [dreg:$0x0]  }
0x2: {  	s2 =	rddreg [dreg:$0x1]  }
0x3: {  	s3 =	rddreg [dreg:$0x2]  }
0x4: {  	s12 =	stileid.u32;
	s1 =	srdreg.scid  }
0x5: {  	s4 =	simm.s32 $0x0;
	s17 =	simm.s32 $0x4;
	s18 =	simm.s32 $0x13C00  }
0x6: {  	s19 =	simm.s32 $0x14400;
	s20 =	simm.s32 $0x40;
	s28 =	simm.s32 $0x18C00  }
0x7: {  	s31 =	simm.s32 $0x80;
	s7 =	smul.u32 $0x13C00, s12;
	s1 =	sand.u32 $0x1, s1  }
0x8: {  	[smem:$0x7FF] =	sst s4;
	s5 =	sadd.s32 $0xBE00, s0;
	s21 =	smul.u32 $0x4F000, s12  }
0x9: {  	s6 =	sadd.s32 $0x1E00, s0;
	s24 =	sshll.u32 s12, $0x6;
	s8 =	smul.u32 $0x13C000, s1  }
0xa: {  	_ =	strace $0x8000004A;
	s10 =	sshll.u32 s1, $0x4;
	s1 =	ssub.s32 $0x2, s1  }
0xb: {  	s9 =	sshrl.u32 s7, $0x3;
	s22 =	sor.u32 s12, s10;
	s23 =	sshrl.u32 s1, $0x1  }
0xc: {  	s9 =	sadd.s32 s9, s0;
	s7 =	sadd.s32 s7, s8;
	s8 =	sshrl.u32 s21, $0x2  }
0xd: {  	s11 =	smul.u32 $0x2800, s22;
	s1 =	ssub.s32 s1, s23;
	s21 =	simm.s32 $0x14C00  }
0xe: {  	s23 =	simm.s32 $0x0;
	s7 =	sshrl.u32 s7, $0x3;
	s16 =	sadd.s32 s8, s3  }
0xf: {  	s25 =	sadd.s32 $0x33600, s9;
	s8 =	sor.u32 $0x1C04, s24;
	s13 =	smax.u32 s1, $0x1  }
.Ltmp0:
0x10: {  	s1 =	simm.s32 $0x1;
	s0 =	sadd.s32 s7, s0;
	(pc) =	sbr.rel .LBB2_1-.Ltmp0, $4  }
0x11: {  	[dreg:$0x4] =	wrdreg s25;
	s26 =	sshrl.u32 s11, $0x3;
	s11 =	sor.u32 $0x400, s11  }
0x12: {  	s16 =	sshrl.u32 s16, $0x3;
	s29 =	sadd.s32 s2, s26;
	s10 =	sadd.s32 s6, s26  }
0x13: {  	s12 =	sadd.s32 $0x5AE00, s0;
	s30 =	sshrl.u32 s11, $0x3;
	s0 =	simm.s32 $0x3  }
0x14: {  	[dreg:$0x5] =	wrdreg s29;
	s14 =	sadd.s32 s2, s30;
	s15 =	sadd.s32 s6, s30  }
.LBB2_6:
0x15: {  	_ =	swait.ge [sflag:s0], $0x4000  }
0x16: {  	[sflag:s0] =	ssyncset.done $0x0  }
0x17: {  	[sflag:s0] =	ssyncadd.s32 $0xFFFFC000  }
0x18: {  	_ =	swait.ge [sflag:s1], $0x2000  }
0x19: {  	[sflag:s1] =	ssyncset.done $0x0  }
0x1a: {  	[sflag:s1] =	ssyncadd.s32 $0xFFFFE000  }
0x1b: {  	_ =	swait.ge [sflag:s1], $0x2000  }
0x1c: {  	[sflag:s1] =	ssyncset.done $0x0  }
0x1d: {  	s7 =	simm.s32 $0x14B80;
	[sflag:s1] =	ssyncadd.s32 $0xFFFFE000  }
0x1e: {  	[spmem:s3] =	stream.indirect.scatter.add.f32 [tilespmem:s28], [sflag:$0x3], $0x80, s7, s31, $0xb8;
	[tilespmem:$0x1CC00] =	vst v63  }
0x1f: {  	_ =	swait.ge [sflag:s0], $0x4000  }
0x20: {  	s23 =	sadd.s32 $0x1, s23;
	[sflag:s0] =	ssyncset.done $0x0  }
0x21: {  	p0 =	sne.s32 s23, s13;
	[sflag:s0] =	ssyncadd.s32 $0xFFFFC000  }
.Ltmp1:
0x22: {  	[bflag:$0x0] =	sbarrier.arrive $0xFFFF;
	(pc) =	sbr.rel @!p0 .LBB2_7-.Ltmp1, $4  }
0x23: {  	[hbm:s12], [sflag:s8] =	dma.local [spmem:s16], $0x2780  }
0x24: {  	_ =	swait.ge [sflag:s17], $0x2780  }
0x25: {  	[sflag:s17] =	ssyncset.done $0x0  }
0x26: {  	[sflag:s17] =	ssyncadd.s32 $0xFFFFD880  }
.LBB2_1:
0x27: {  	s7 =	rddreg [dreg:$0x4]  }
0x28: {  	[spmem:s16], [sflag:s8] =	dma.local [hbm:s7], $0x2780  }
0x29: {  	_ =	swait.ge [sflag:s17], $0x2780  }
0x2a: {  	[sflag:s17] =	ssyncset.done $0x0  }
0x2b: {  	s9 =	rddreg [dreg:$0x5];
	[sflag:s17] =	ssyncadd.s32 $0xFFFFD880  }
0x2c: {  	[tilespmem:s18], [sflag:$0x4] =	stream.linear.gather [hbm4b:s9+s4], $0x400, $0x38;
	[tilespmem:$0x1CC00] =	vst v63  }
0x2d: {  	_ =	swait.ge [sflag:s17], $0x400  }
0x2e: {  	[sflag:s17] =	ssyncset.done $0x0  }
0x2f: {  	[sflag:s17] =	ssyncadd.s32 $0xFFFFFC00  }
0x30: {  	[tilespmem:s19], [sflag:$0x4] =	stream.linear.gather [hbm4b:s10+s4], $0x400, $0x38;
	[tilespmem:$0x1CC00] =	vst v63  }
0x31: {  	_ =	swait.ge [sflag:s17], $0x400  }
0x32: {  	[sflag:s17] =	ssyncset.done $0x0  }
0x33: {  	[sflag:s17] =	ssyncadd.s32 $0xFFFFFC00  }
0x34: {  	[tilespmem:s21], [sflag:$0x1] =	stream.indirect.gather [hbm4b:s5+s20], $0x80, s18, s20, $0xb8;
	[tilespmem:$0x1CC00] =	vst v63  }
0x35: {  	s22 =	simm.s32 $0x13C40;
	s9 =	simm.s32 $0x16C00  }
0x36: {  	[tilespmem:s9], [sflag:$0x1] =	stream.indirect.gather [hbm4b:s5+s20], $0x80, s22, s20, $0xb8;
	[tilespmem:$0x1CC00] =	vst v63  }
0x37: {  	s24 =	simm.s32 $0x14000;
	[bflag:$0x0] =	sbarrier.arrive $0xFFFF  }
0x38: {  	[tilespmem:s24], [sflag:$0x2] =	stream.linear.gather [hbm4b:s14+s4], $0x400, $0x38;
	[tilespmem:$0x1CC00] =	vst v63  }
0x39: {  	s25 =	simm.s32 $0x14800  }
0x3a: {  	[tilespmem:s25], [sflag:$0x2] =	stream.linear.gather [hbm4b:s15+s4], $0x400, $0x38;
	[tilespmem:$0x1CC00] =	vst v63  }
0x3b: {  	s26 =	simm.s32 $0x13C80  }
0x3c: {  	[tilespmem:s28], [sflag:$0x1] =	stream.indirect.gather [hbm4b:s5+s20], $0x80, s26, s20, $0xb8;
	[tilespmem:$0x1CC00] =	vst v63  }
0x3d: {  	s29 =	simm.s32 $0x13CC0;
	s30 =	simm.s32 $0x1AC00  }
0x3e: {  	[tilespmem:s30], [sflag:$0x1] =	stream.indirect.gather [hbm4b:s5+s20], $0x80, s29, s20, $0xb8;
	[tilespmem:$0x1CC00] =	vst v63  }
0x3f: {  	_ =	swait.ge [sflag:s1], $0x2000  }
0x40: {  	[sflag:s1] =	ssyncset.done $0x0  }
.Ltmp2:
0x41: {  	[sflag:s1] =	ssyncadd.s32 $0xFFFFE000;
	(pc) =	sbr.rel .LBB2_2-.Ltmp2, $4  }
0x42: {  	_ =	swait.ge [sflag:s1], $0x2000  }
0x43: {  	[sflag:s1] =	ssyncset.done $0x0  }
0x44: {  	s24 =	simm.s32 $0x100;
	s25 =	simm.s32 $0x1;
	[sflag:s1] =	ssyncadd.s32 $0xFFFFE000  }
0x45: {  	[spmem:s3] =	stream.indirect.scatter.add.f32 [tilespmem:s21], [sflag:$0x3], $0x80, s19, s31, $0xb8;
	[tilespmem:$0x1CC00] =	vst v63  }
.LBB2_4:
0x46: {  	s30 =	sshll.u32 s30, $0xA  }
0x47: {  	s30 =	sadd.s32 s30, s11  }
0x48: {  	s22 =	sxor.u32 $0x400, s29;
	s30 =	sshrl.u32 s30, $0x3  }
0x49: {  	s7 =	sadd.s32 $0x13C00, s22;
	s9 =	sadd.s32 s2, s30  }
0x4a: {  	[tilespmem:s7], [sflag:$0x2] =	stream.linear.gather [hbm4b:s9+s4], $0x400, $0x38;
	[tilespmem:$0x1CC00] =	vst v63  }
0x4b: {  	s22 =	sadd.s32 $0x14400, s22;
	s30 =	sadd.s32 s6, s30  }
0x4c: {  	[tilespmem:s22], [sflag:$0x2] =	stream.linear.gather [hbm4b:s30+s4], $0x400, $0x38;
	[tilespmem:$0x1CC00] =	vst v63  }
.LBB2_5:
0x4d: {  	s7 =	sand.u32 $0x1, s25  }
0x4e: {  	_ =	swait.ge [sflag:s0], $0x4000;
	s7 =	sshll.u32 s7, $0xE  }
0x4f: {  	s22 =	sand.u32 $0x780, s24;
	[sflag:s0] =	ssyncset.done $0x0;
	s9 =	sxor.u32 $0x4000, s7  }
0x50: {  	s30 =	sadd.s32 $0x13C00, s22;
	[sflag:s0] =	ssyncadd.s32 $0xFFFFC000;
	s9 =	sadd.s32 $0x14C00, s9  }
0x51: {  	[tilespmem:s9], [sflag:$0x1] =	stream.indirect.gather [hbm4b:s5+s20], $0x80, s30, s20, $0xb8;
	[tilespmem:$0x1CC00] =	vst v63  }
0x52: {  	s22 =	sadd.s32 $0x13C40, s22;
	s30 =	ssub.s32 $0x1AC00, s7  }
0x53: {  	[tilespmem:s30], [sflag:$0x1] =	stream.indirect.gather [hbm4b:s5+s20], $0x80, s22, s20, $0xb8;
	[tilespmem:$0x1CC00] =	vst v63  }
0x54: {  	s25 =	sadd.s32 $0x1, s25;
	_ =	swait.ge [sflag:s1], $0x2000  }
0x55: {  	p0 =	sne.s32 s25, $0x4F;
	[sflag:s1] =	ssyncset.done $0x0  }
.Ltmp3:
0x56: {  	[sflag:s1] =	ssyncadd.s32 $0xFFFFE000;
	(pc) =	sbr.rel @!p0 .LBB2_6-.Ltmp3, $4  }
0x57: {  	s30 =	sshll.u32 s26, $0x7;
	_ =	swait.ge [sflag:s1], $0x2000  }
0x58: {  	s24 =	sadd.s32 $0x80, s24;
	s9 =	sor.u32 s30, s29;
	[sflag:s1] =	ssyncset.done $0x0  }
0x59: {  	s7 =	sadd.s32 $0x14C00, s7;
	s9 =	sadd.s32 $0x14400, s9;
	[sflag:s1] =	ssyncadd.s32 $0xFFFFE000  }
0x5a: {  	[spmem:s3] =	stream.indirect.scatter.add.f32 [tilespmem:s7], [sflag:$0x3], $0x80, s9, s31, $0xb8;
	[tilespmem:$0x1CC00] =	vst v63  }
.LBB2_2:
0x5b: {  	s26 =	sand.u32 $0x7, s25;
	p0 =	sgt.u32 s25, $0x47  }
0x5c: {  	p1 =	seq.s32 @!p0 s26, $0x0  }
0x5d: {  	p1 =	por p0, !p1  }
.Ltmp4:
0x5e: {  	_ = 	snop;
	(pc) =	sbr.rel @!p1 .LBB2_4-.Ltmp4, $4  }
0x5f: {  	_ = 	snop  }
0x60: {  	s30 =	sshrl.u32 s25, $0x3  }
0x61: {  	s29 =	sand.u32 $0x1, s30  }
0x62: {  	s29 =	sshll.u32 s29, $0xA  }
0x63: {  	p1 =	sne.s32 @!p0 s26, $0x7  }
0x64: {  	p0 =	por p1, p0  }
0x65: {  	s30 =	simm.s32 @!p0 $0x2  }
0x66: {  	_ =	swait.ge @!p0 [sflag:s30], $0x400  }
.Ltmp5:
0x67: {  	[sflag:s30] =	ssyncset.done @!p0 $0x0;
	(pc) =	sbr.rel .LBB2_5-.Ltmp5, $4  }
0x68: {  	[sflag:s30] =	ssyncadd.s32 @!p0 $0xFFFFFC00  }
0x69: {  	_ =	swait.ge @!p0 [sflag:s30], $0x400  }
0x6a: {  	[sflag:s30] =	ssyncset.done @!p0 $0x0  }
0x6b: {  	[sflag:s30] =	ssyncadd.s32 @!p0 $0xFFFFFC00  }
.LBB2_7:
0x6c: {  	_ =	sfence.sel $0x180000  }
0x6d: {  	[bflag:$0x0] =	sbarrier.arrive $0xFFFF  }
0x6e: {  	_ =	strace $0x9000004A  }
0x6f: {  	s0 =	stileid.u32;
	[bflag:$0x2] =	sbarrier.arrive $0xFFFF  }
0x70: {  	p0 =	sne.s32 s0, $0x0;
	s0 =	rddreg [dreg:$0x3]  }
0x71: {  	s0 =	sadd.s32 @!p0 $0x100000, s0  }
0x72: {  	[sflag:s0] =	ssyncadd.tile.s32 @!p0 $0x1;
	_ =	shalt  }
.Lfunc_end2:
_tile_overlayer_lowered:
.L_overlay_start_2:
0x73: {  	(tag) =	ssettag $0x2  }
0x74: {  	s0 =	rddreg [dreg:$0x0];
	s2 =	stileid.u32  }
0x75: {  	s1 =	rddreg [dreg:$0x1];
	p0 =	sne.s32 s2, $0x0  }
0x76: {  	s3 =	rddreg [dreg:$0x2];
	[bflag:$0x3] =	sbarrier.arrive $0xFFFF;
	s2 =	simm.s32 @!p0 $0x1C04  }
0x77: {  	[timem:s3], [sflag:s2] =	dma.local @!p0 [hbm:s0], s1  }
0x78: {  	s0 =	simm.s32 @!p0 $0x4  }
0x79: {  	_ =	swait.ge @!p0 [sflag:s0], s1  }
0x7a: {  	s1 =	ssub.s32 @!p0 $0x0, s1;
	[sflag:s0] =	ssyncset.done @!p0 $0x0  }
0x7b: {  	[sflag:s0] =	ssyncadd.s32 @!p0 s1  }
0x7c: {  	[bflag:$0x3] =	sbarrier.arrive $0xFFFF  }
0x7d: {  	_ =	shalt  }

</sc_bundles>
